<compile_context>
chip_gen: v7x
topology: tpu7x:2x2x1
jax: 0.10.2.dev20260603
libtpu: 0.0.44.dev20260713+nightly
codegen_flags: <defaults>
</compile_context>

<pallas_src>
import functools

import jax
import jax.numpy as jnp
from jax import lax
from jax.experimental import pallas as pl
from jax.experimental.pallas import tpu as pltpu
from jax.experimental.pallas import tpu_sc as plsc

EMBED = 64
TOTAL = 2048
NUM_CORES = 2
NUM_SUBCORES = 16
DIMS_PER_CORE = EMBED // NUM_CORES
DIMS_PER_WORKER = DIMS_PER_CORE // NUM_SUBCORES
NROW = 16
NCOL = TOTAL // NROW
ENTITIES = 100000


def _score_body(entT_hbm, relT_hbm, batchT_hbm, corruptT_hbm, out_hbm,
                hidx_v, ridx_v, ttidx_v, tidx_v,
                col_v, diff_v, acc_v, shared_s, sem_i, sem_c):
    c = lax.axis_index("c")
    s = lax.axis_index("s")
    d0 = c * DIMS_PER_CORE + s * DIMS_PER_WORKER

    half = TOTAL // 2
    idx_cps = [
        pltpu.async_copy(batchT_hbm.at[0], hidx_v.at[pl.ds(0, half)], sem_i),
        pltpu.async_copy(corruptT_hbm.at[0], hidx_v.at[pl.ds(half, half)], sem_i),
        pltpu.async_copy(batchT_hbm.at[1], ridx_v.at[pl.ds(0, half)], sem_i),
        pltpu.async_copy(corruptT_hbm.at[1], ridx_v.at[pl.ds(half, half)], sem_i),
        pltpu.async_copy(batchT_hbm.at[3], ttidx_v.at[pl.ds(0, half)], sem_i),
        pltpu.async_copy(corruptT_hbm.at[3], ttidx_v.at[pl.ds(half, half)], sem_i),
        pltpu.async_copy(batchT_hbm.at[2], tidx_v.at[pl.ds(0, half)], sem_i),
        pltpu.async_copy(corruptT_hbm.at[2], tidx_v.at[pl.ds(half, half)], sem_i),
    ]
    col_cp = pltpu.async_copy(entT_hbm.at[d0], col_v, sem_c)
    for cp in idx_cps:
        cp.wait()

    for k in range(DIMS_PER_WORKER):
        d = d0 + k

        if k == 0:
            col_cp.wait()
        else:
            pltpu.sync_copy(entT_hbm.at[d], col_v)

        def ent_row(row, _):
            for j in range(NCOL // 16):
                base = row * NCOL + j * 16
                hi = hidx_v[pl.ds(base, 16)]
                ti = tidx_v[pl.ds(base, 16)]
                eh = plsc.load_gather(col_v, [hi])
                et = plsc.load_gather(col_v, [ti])
                diff_v[row, pl.ds(j * 16, 16)] = eh - et
            return 0

        lax.fori_loop(0, NROW, ent_row, 0)

        pltpu.sync_copy(relT_hbm.at[d], col_v)

        def rel_row(row, _):
            for j in range(NCOL // 16):
                base = row * NCOL + j * 16
                ri = ridx_v[pl.ds(base, 16)]
                tti = ttidx_v[pl.ds(base, 16)]
                rr = plsc.load_gather(col_v, [ri])
                rtt = plsc.load_gather(col_v, [tti])
                sl = pl.ds(j * 16, 16)
                e = diff_v[row, sl] + rr + rtt
                if k == 0:
                    acc_v[row, sl] = e * e
                else:
                    acc_v[row, sl] = acc_v[row, sl] + e * e
            return 0

        lax.fori_loop(0, NROW, rel_row, 0)

    rows = lax.iota(jnp.int32, 16)

    @pl.when(s == 0)
    def _():
        pltpu.sync_copy(acc_v, shared_s)

    plsc.subcore_barrier()

    @pl.when(s != 0)
    def _():
        pltpu.sync_copy(acc_v, shared_s.at[rows], add=True)

    plsc.subcore_barrier()

    @pl.when(s == 0)
    def _():
        pltpu.sync_copy(shared_s, out_hbm.at[c])


@jax.jit
def _ttranse_scores(entT, relT, batchT, corruptT):
    call = functools.partial(
        pl.kernel,
        out_type=jax.ShapeDtypeStruct((NUM_CORES, NROW, NCOL), jnp.float32),
        mesh=plsc.VectorSubcoreMesh(core_axis_name="c", subcore_axis_name="s"),
        compiler_params=pltpu.CompilerParams(
            needs_layout_passes=False, use_tc_tiling_on_sc=True),
        scratch_types=[
            pltpu.VMEM((TOTAL,), jnp.int32),
            pltpu.VMEM((TOTAL,), jnp.int32),
            pltpu.VMEM((TOTAL,), jnp.int32),
            pltpu.VMEM((TOTAL,), jnp.int32),
            pltpu.VMEM((ENTITIES,), jnp.float32),
            pltpu.VMEM((NROW, NCOL), jnp.float32),
            pltpu.VMEM((NROW, NCOL), jnp.float32),
            pltpu.VMEM_SHARED((NROW, NCOL), jnp.float32),
            pltpu.SemaphoreType.DMA,
            pltpu.SemaphoreType.DMA,
        ],
    )(_score_body)
    return call(entT, relT, batchT, corruptT)


def kernel(batch, corrupt_batch, entity_embedding, relation_embedding):
    out = _ttranse_scores(entity_embedding.T, relation_embedding.T,
                          batch.T.astype(jnp.int32),
                          corrupt_batch.T.astype(jnp.int32))
    hr = NROW // 2
    correct = (out[0, :hr] + out[1, :hr]).reshape(TOTAL // 2)
    corrupt = (out[0, hr:] + out[1, hr:]).reshape(TOTAL // 2)
    return (correct, corrupt)

# --- scband reference (transcript-rebuilt; emitter-appended) ---
"""Pipeline reference for scband-ttrans-e-68959994904982 (READ-ONLY COPY).

The authoritative reference and input builder live on the scoring server;
editing this copy changes nothing except your own understanding.
"""

import jax, jax.numpy as jnp
import numpy as np
import math

ENTITY_NUM = 100000
RELATION_NUM = 100000
EMBED_DIM = 64
BATCH = 1024

def _init_table(key, n, d):
    bound = 6.0 / math.sqrt(d)
    t = jax.random.uniform(key, (n, d), dtype=jnp.float32, minval=-bound, maxval=bound)
    norm = jnp.linalg.norm(t, ord=2, axis=1, keepdims=True)
    return t / jnp.maximum(norm, 1e-12)

def setup_inputs(seed: int = 0) -> dict:
    key = jax.random.key(seed)
    k1, k2, k3, k4 = jax.random.split(key, 4)
    batch = jax.random.randint(k1, (BATCH, 4), 0, ENTITY_NUM, dtype=jnp.int64 if jax.config.jax_enable_x64 else jnp.int32)
    corrupt_batch = jax.random.randint(k2, (BATCH, 4), 0, ENTITY_NUM, dtype=jnp.int64 if jax.config.jax_enable_x64 else jnp.int32)
    entity_embedding = _init_table(k3, ENTITY_NUM, EMBED_DIM)
    relation_embedding = _init_table(k4, RELATION_NUM, EMBED_DIM)
    return {"batch": batch, "corrupt_batch": corrupt_batch, "entity_embedding": entity_embedding, "relation_embedding": relation_embedding}

def reference(batch, corrupt_batch, entity_embedding, relation_embedding):
    h = batch[:, 0]
    r = batch[:, 1]
    t = batch[:, 2]
    tt = batch[:, 3]
    c_h = corrupt_batch[:, 0]
    c_r = corrupt_batch[:, 1]
    c_t = corrupt_batch[:, 2]
    c_tt = corrupt_batch[:, 3]
    correct = jnp.sum((jnp.take(entity_embedding, h, axis=0) + jnp.take(relation_embedding, r, axis=0) + jnp.take(relation_embedding, tt, axis=0) - jnp.take(entity_embedding, t, axis=0)) ** 2, axis=1)
    corrupt = jnp.sum((jnp.take(entity_embedding, c_h, axis=0) + jnp.take(relation_embedding, c_r, axis=0) + jnp.take(relation_embedding, c_tt, axis=0) - jnp.take(entity_embedding, c_t, axis=0)) ** 2, axis=1)
    return (correct, corrupt)

if __name__ == "__main__":
    import jax
    _d = setup_inputs()
    print(jax.jit(kernel)(*tuple(_d.values())))

</pallas_src>

<mosaic_0001>
#map = affine_map<(d0, d1) -> (0, 0)>
#map1 = affine_map<(d0, d1) -> (0, 0, 0)>
module attributes {stable_mosaic.version = 14 : i64} {
  func.func @_score_body(%arg0: i32, %arg1: i32, %arg2: memref<64x100000xf32, #tpu.memory_space<hbm>>, %arg3: memref<64x100000xf32, #tpu.memory_space<hbm>>, %arg4: memref<4x1024xi32, #tpu.memory_space<hbm>>, %arg5: memref<4x1024xi32, #tpu.memory_space<hbm>>, %arg6: memref<2x16x128xf32, #tpu.memory_space<hbm>>, %arg7: memref<2048xi32, #tpu.memory_space<vmem>>, %arg8: memref<2048xi32, #tpu.memory_space<vmem>>, %arg9: memref<2048xi32, #tpu.memory_space<vmem>>, %arg10: memref<2048xi32, #tpu.memory_space<vmem>>, %arg11: memref<100000xf32, #tpu.memory_space<vmem>>, %arg12: memref<16x128xf32, #tpu.memory_space<vmem>>, %arg13: memref<16x128xf32, #tpu.memory_space<vmem>>, %arg14: memref<16x128xf32, #tpu.memory_space<vmem_shared>>, %arg15: memref<!tpu.dma_semaphore, #tpu.memory_space<semaphore_mem>>, %arg16: memref<!tpu.dma_semaphore, #tpu.memory_space<semaphore_mem>>) attributes {dimension_semantics = [#tpu.dimension_semantics<core_parallel>, #tpu.dimension_semantics<subcore_parallel>], iteration_bounds = array<i64: 2, 16>, scalar_prefetch = 0 : i64, scratch_operands = 10 : i64, tpu.core_type = #tpu.core_type<sc_vector_subcore>, window_params = [{transform_indices = #map}, {transform_indices = #map}, {transform_indices = #map}, {transform_indices = #map}, {transform_indices = #map1}]} {
    %mul3A = arith.constant 32 : i32
    %mul3A_0 = arith.muli %arg0, %mul3A : i32
    %mul3A_1 = arith.constant 2 : i32
    %mul3A_2 = arith.muli %arg1, %mul3A_1 : i32
    %add3A = arith.addi %mul3A_0, %mul3A_2 : i32
    %dma_start3A = arith.constant 0 : i32
    %dma_start3A_3 = arith.constant 0 : i32
    %dma_start3A_4 = tpu.memref_slice %arg7[%dma_start3A_3] : memref<2048xi32, #tpu.memory_space<vmem>> -> memref<1024xi32, #tpu.memory_space<vmem>>
    %dma_start3A_5 = arith.constant 0 : i32
    %dma_start3A_6 = tpu.memref_slice %arg4[%dma_start3A, %dma_start3A_5] : memref<4x1024xi32, #tpu.memory_space<hbm>> -> memref<1x1024xi32, #tpu.memory_space<hbm>>
    %dma_start3A_7 = tpu.memref_squeeze %dma_start3A_6 : memref<1x1024xi32, #tpu.memory_space<hbm>> -> memref<1024xi32, #tpu.memory_space<hbm>>
    %dma_start3A_8 = arith.constant 0 : i32
    %dma_start3A_9 = tpu.memref_slice %arg7[%dma_start3A_8] : memref<2048xi32, #tpu.memory_space<vmem>> -> memref<1024xi32, #tpu.memory_space<vmem>>
    %dma_start3A_10 = arith.constant 0 : i32
    %dma_start3A_11 = tpu.memref_slice %arg4[%dma_start3A, %dma_start3A_10] : memref<4x1024xi32, #tpu.memory_space<hbm>> -> memref<1x1024xi32, #tpu.memory_space<hbm>>
    %dma_start3A_12 = tpu.memref_squeeze %dma_start3A_11 : memref<1x1024xi32, #tpu.memory_space<hbm>> -> memref<1024xi32, #tpu.memory_space<hbm>>
    tpu.enqueue_dma source(%dma_start3A_12 : memref<1024xi32, #tpu.memory_space<hbm>>) target(%dma_start3A_9 : memref<1024xi32, #tpu.memory_space<vmem>>) target_semaphore(%arg15 : memref<!tpu.dma_semaphore, #tpu.memory_space<semaphore_mem>>)
    %dma_start3A_13 = arith.constant 0 : i32
    %dma_start3A_14 = arith.constant 1024 : i32
    %dma_start3A_15 = tpu.memref_slice %arg7[%dma_start3A_14] : memref<2048xi32, #tpu.memory_space<vmem>> -> memref<1024xi32, #tpu.memory_space<vmem>>
    %dma_start3A_16 = arith.constant 0 : i32
    %dma_start3A_17 = tpu.memref_slice %arg5[%dma_start3A_13, %dma_start3A_16] : memref<4x1024xi32, #tpu.memory_space<hbm>> -> memref<1x1024xi32, #tpu.memory_space<hbm>>
    %dma_start3A_18 = tpu.memref_squeeze %dma_start3A_17 : memref<1x1024xi32, #tpu.memory_space<hbm>> -> memref<1024xi32, #tpu.memory_space<hbm>>
    %dma_start3A_19 = arith.constant 1024 : i32
    %dma_start3A_20 = tpu.memref_slice %arg7[%dma_start3A_19] : memref<2048xi32, #tpu.memory_space<vmem>> -> memref<1024xi32, #tpu.memory_space<vmem>>
    %dma_start3A_21 = arith.constant 0 : i32
    %dma_start3A_22 = tpu.memref_slice %arg5[%dma_start3A_13, %dma_start3A_21] : memref<4x1024xi32, #tpu.memory_space<hbm>> -> memref<1x1024xi32, #tpu.memory_space<hbm>>
    %dma_start3A_23 = tpu.memref_squeeze %dma_start3A_22 : memref<1x1024xi32, #tpu.memory_space<hbm>> -> memref<1024xi32, #tpu.memory_space<hbm>>
    tpu.enqueue_dma source(%dma_start3A_23 : memref<1024xi32, #tpu.memory_space<hbm>>) target(%dma_start3A_20 : memref<1024xi32, #tpu.memory_space<vmem>>) target_semaphore(%arg15 : memref<!tpu.dma_semaphore, #tpu.memory_space<semaphore_mem>>)
    %dma_start3A_24 = arith.constant 1 : i32
    %dma_start3A_25 = arith.constant 0 : i32
    %dma_start3A_26 = tpu.memref_slice %arg8[%dma_start3A_25] : memref<2048xi32, #tpu.memory_space<vmem>> -> memref<1024xi32, #tpu.memory_space<vmem>>
    %dma_start3A_27 = arith.constant 0 : i32
    %dma_start3A_28 = tpu.memref_slice %arg4[%dma_start3A_24, %dma_start3A_27] : memref<4x1024xi32, #tpu.memory_space<hbm>> -> memref<1x1024xi32, #tpu.memory_space<hbm>>
    %dma_start3A_29 = tpu.memref_squeeze %dma_start3A_28 : memref<1x1024xi32, #tpu.memory_space<hbm>> -> memref<1024xi32, #tpu.memory_space<hbm>>
    %dma_start3A_30 = arith.constant 0 : i32
    %dma_start3A_31 = tpu.memref_slice %arg8[%dma_start3A_30] : memref<2048xi32, #tpu.memory_space<vmem>> -> memref<1024xi32, #tpu.memory_space<vmem>>
    %dma_start3A_32 = arith.constant 0 : i32
    %dma_start3A_33 = tpu.memref_slice %arg4[%dma_start3A_24, %dma_start3A_32] : memref<4x1024xi32, #tpu.memory_space<hbm>> -> memref<1x1024xi32, #tpu.memory_space<hbm>>
    %dma_start3A_34 = tpu.memref_squeeze %dma_start3A_33 : memref<1x1024xi32, #tpu.memory_space<hbm>> -> memref<1024xi32, #tpu.memory_space<hbm>>
    tpu.enqueue_dma source(%dma_start3A_34 : memref<1024xi32, #tpu.memory_space<hbm>>) target(%dma_start3A_31 : memref<1024xi32, #tpu.memory_space<vmem>>) target_semaphore(%arg15 : memref<!tpu.dma_semaphore, #tpu.memory_space<semaphore_mem>>)
    %dma_start3A_35 = arith.constant 1 : i32
    %dma_start3A_36 = arith.constant 1024 : i32
    %dma_start3A_37 = tpu.memref_slice %arg8[%dma_start3A_36] : memref<2048xi32, #tpu.memory_space<vmem>> -> memref<1024xi32, #tpu.memory_space<vmem>>
    %dma_start3A_38 = arith.constant 0 : i32
    %dma_start3A_39 = tpu.memref_slice %arg5[%dma_start3A_35, %dma_start3A_38] : memref<4x1024xi32, #tpu.memory_space<hbm>> -> memref<1x1024xi32, #tpu.memory_space<hbm>>
    %dma_start3A_40 = tpu.memref_squeeze %dma_start3A_39 : memref<1x1024xi32, #tpu.memory_space<hbm>> -> memref<1024xi32, #tpu.memory_space<hbm>>
    %dma_start3A_41 = arith.constant 1024 : i32
    %dma_start3A_42 = tpu.memref_slice %arg8[%dma_start3A_41] : memref<2048xi32, #tpu.memory_space<vmem>> -> memref<1024xi32, #tpu.memory_space<vmem>>
    %dma_start3A_43 = arith.constant 0 : i32
    %dma_start3A_44 = tpu.memref_slice %arg5[%dma_start3A_35, %dma_start3A_43] : memref<4x1024xi32, #tpu.memory_space<hbm>> -> memref<1x1024xi32, #tpu.memory_space<hbm>>
    %dma_start3A_45 = tpu.memref_squeeze %dma_start3A_44 : memref<1x1024xi32, #tpu.memory_space<hbm>> -> memref<1024xi32, #tpu.memory_space<hbm>>
    tpu.enqueue_dma source(%dma_start3A_45 : memref<1024xi32, #tpu.memory_space<hbm>>) target(%dma_start3A_42 : memref<1024xi32, #tpu.memory_space<vmem>>) target_semaphore(%arg15 : memref<!tpu.dma_semaphore, #tpu.memory_space<semaphore_mem>>)
    %dma_start3A_46 = arith.constant 3 : i32
    %dma_start3A_47 = arith.constant 0 : i32
    %dma_start3A_48 = tpu.memref_slice %arg9[%dma_start3A_47] : memref<2048xi32, #tpu.memory_space<vmem>> -> memref<1024xi32, #tpu.memory_space<vmem>>
    %dma_start3A_49 = arith.constant 0 : i32
    %dma_start3A_50 = tpu.memref_slice %arg4[%dma_start3A_46, %dma_start3A_49] : memref<4x1024xi32, #tpu.memory_space<hbm>> -> memref<1x1024xi32, #tpu.memory_space<hbm>>
    %dma_start3A_51 = tpu.memref_squeeze %dma_start3A_50 : memref<1x1024xi32, #tpu.memory_space<hbm>> -> memref<1024xi32, #tpu.memory_space<hbm>>
    %dma_start3A_52 = arith.constant 0 : i32
    %dma_start3A_53 = tpu.memref_slice %arg9[%dma_start3A_52] : memref<2048xi32, #tpu.memory_space<vmem>> -> memref<1024xi32, #tpu.memory_space<vmem>>
    %dma_start3A_54 = arith.constant 0 : i32
    %dma_start3A_55 = tpu.memref_slice %arg4[%dma_start3A_46, %dma_start3A_54] : memref<4x1024xi32, #tpu.memory_space<hbm>> -> memref<1x1024xi32, #tpu.memory_space<hbm>>
    %dma_start3A_56 = tpu.memref_squeeze %dma_start3A_55 : memref<1x1024xi32, #tpu.memory_space<hbm>> -> memref<1024xi32, #tpu.memory_space<hbm>>
    tpu.enqueue_dma source(%dma_start3A_56 : memref<1024xi32, #tpu.memory_space<hbm>>) target(%dma_start3A_53 : memref<1024xi32, #tpu.memory_space<vmem>>) target_semaphore(%arg15 : memref<!tpu.dma_semaphore, #tpu.memory_space<semaphore_mem>>)
    %dma_start3A_57 = arith.constant 3 : i32
    %dma_start3A_58 = arith.constant 1024 : i32
    %dma_start3A_59 = tpu.memref_slice %arg9[%dma_start3A_58] : memref<2048xi32, #tpu.memory_space<vmem>> -> memref<1024xi32, #tpu.memory_space<vmem>>
    %dma_start3A_60 = arith.constant 0 : i32
    %dma_start3A_61 = tpu.memref_slice %arg5[%dma_start3A_57, %dma_start3A_60] : memref<4x1024xi32, #tpu.memory_space<hbm>> -> memref<1x1024xi32, #tpu.memory_space<hbm>>
    %dma_start3A_62 = tpu.memref_squeeze %dma_start3A_61 : memref<1x1024xi32, #tpu.memory_space<hbm>> -> memref<1024xi32, #tpu.memory_space<hbm>>
    %dma_start3A_63 = arith.constant 1024 : i32
    %dma_start3A_64 = tpu.memref_slice %arg9[%dma_start3A_63] : memref<2048xi32, #tpu.memory_space<vmem>> -> memref<1024xi32, #tpu.memory_space<vmem>>
    %dma_start3A_65 = arith.constant 0 : i32
    %dma_start3A_66 = tpu.memref_slice %arg5[%dma_start3A_57, %dma_start3A_65] : memref<4x1024xi32, #tpu.memory_space<hbm>> -> memref<1x1024xi32, #tpu.memory_space<hbm>>
    %dma_start3A_67 = tpu.memref_squeeze %dma_start3A_66 : memref<1x1024xi32, #tpu.memory_space<hbm>> -> memref<1024xi32, #tpu.memory_space<hbm>>
    tpu.enqueue_dma source(%dma_start3A_67 : memref<1024xi32, #tpu.memory_space<hbm>>) target(%dma_start3A_64 : memref<1024xi32, #tpu.memory_space<vmem>>) target_semaphore(%arg15 : memref<!tpu.dma_semaphore, #tpu.memory_space<semaphore_mem>>)
    %dma_start3A_68 = arith.constant 2 : i32
    %dma_start3A_69 = arith.constant 0 : i32
    %dma_start3A_70 = tpu.memref_slice %arg10[%dma_start3A_69] : memref<2048xi32, #tpu.memory_space<vmem>> -> memref<1024xi32, #tpu.memory_space<vmem>>
    %dma_start3A_71 = arith.constant 0 : i32
    %dma_start3A_72 = tpu.memref_slice %arg4[%dma_start3A_68, %dma_start3A_71] : memref<4x1024xi32, #tpu.memory_space<hbm>> -> memref<1x1024xi32, #tpu.memory_space<hbm>>
    %dma_start3A_73 = tpu.memref_squeeze %dma_start3A_72 : memref<1x1024xi32, #tpu.memory_space<hbm>> -> memref<1024xi32, #tpu.memory_space<hbm>>
    %dma_start3A_74 = arith.constant 0 : i32
    %dma_start3A_75 = tpu.memref_slice %arg10[%dma_start3A_74] : memref<2048xi32, #tpu.memory_space<vmem>> -> memref<1024xi32, #tpu.memory_space<vmem>>
    %dma_start3A_76 = arith.constant 0 : i32
    %dma_start3A_77 = tpu.memref_slice %arg4[%dma_start3A_68, %dma_start3A_76] : memref<4x1024xi32, #tpu.memory_space<hbm>> -> memref<1x1024xi32, #tpu.memory_space<hbm>>
    %dma_start3A_78 = tpu.memref_squeeze %dma_start3A_77 : memref<1x1024xi32, #tpu.memory_space<hbm>> -> memref<1024xi32, #tpu.memory_space<hbm>>
    tpu.enqueue_dma source(%dma_start3A_78 : memref<1024xi32, #tpu.memory_space<hbm>>) target(%dma_start3A_75 : memref<1024xi32, #tpu.memory_space<vmem>>) target_semaphore(%arg15 : memref<!tpu.dma_semaphore, #tpu.memory_space<semaphore_mem>>)
    %dma_start3A_79 = arith.constant 2 : i32
    %dma_start3A_80 = arith.constant 1024 : i32
    %dma_start3A_81 = tpu.memref_slice %arg10[%dma_start3A_80] : memref<2048xi32, #tpu.memory_space<vmem>> -> memref<1024xi32, #tpu.memory_space<vmem>>
    %dma_start3A_82 = arith.constant 0 : i32
    %dma_start3A_83 = tpu.memref_slice %arg5[%dma_start3A_79, %dma_start3A_82] : memref<4x1024xi32, #tpu.memory_space<hbm>> -> memref<1x1024xi32, #tpu.memory_space<hbm>>
    %dma_start3A_84 = tpu.memref_squeeze %dma_start3A_83 : memref<1x1024xi32, #tpu.memory_space<hbm>> -> memref<1024xi32, #tpu.memory_space<hbm>>
    %dma_start3A_85 = arith.constant 1024 : i32
    %dma_start3A_86 = tpu.memref_slice %arg10[%dma_start3A_85] : memref<2048xi32, #tpu.memory_space<vmem>> -> memref<1024xi32, #tpu.memory_space<vmem>>
    %dma_start3A_87 = arith.constant 0 : i32
    %dma_start3A_88 = tpu.memref_slice %arg5[%dma_start3A_79, %dma_start3A_87] : memref<4x1024xi32, #tpu.memory_space<hbm>> -> memref<1x1024xi32, #tpu.memory_space<hbm>>
    %dma_start3A_89 = tpu.memref_squeeze %dma_start3A_88 : memref<1x1024xi32, #tpu.memory_space<hbm>> -> memref<1024xi32, #tpu.memory_space<hbm>>
    tpu.enqueue_dma source(%dma_start3A_89 : memref<1024xi32, #tpu.memory_space<hbm>>) target(%dma_start3A_86 : memref<1024xi32, #tpu.memory_space<vmem>>) target_semaphore(%arg15 : memref<!tpu.dma_semaphore, #tpu.memory_space<semaphore_mem>>)
    %dma_start3A_90 = arith.constant 0 : i32
    %dma_start3A_91 = tpu.memref_slice %arg2[%add3A, %dma_start3A_90] : memref<64x100000xf32, #tpu.memory_space<hbm>> -> memref<1x100000xf32, #tpu.memory_space<hbm>>
    %dma_start3A_92 = tpu.memref_squeeze %dma_start3A_91 : memref<1x100000xf32, #tpu.memory_space<hbm>> -> memref<100000xf32, #tpu.memory_space<hbm>>
    %dma_start3A_93 = arith.constant 0 : i32
    %dma_start3A_94 = tpu.memref_slice %arg2[%add3A, %dma_start3A_93] : memref<64x100000xf32, #tpu.memory_space<hbm>> -> memref<1x100000xf32, #tpu.memory_space<hbm>>
    %dma_start3A_95 = tpu.memref_squeeze %dma_start3A_94 : memref<1x100000xf32, #tpu.memory_space<hbm>> -> memref<100000xf32, #tpu.memory_space<hbm>>
    tpu.enqueue_dma source(%dma_start3A_95 : memref<100000xf32, #tpu.memory_space<hbm>>) target(%arg11 : memref<100000xf32, #tpu.memory_space<vmem>>) target_semaphore(%arg16 : memref<!tpu.dma_semaphore, #tpu.memory_space<semaphore_mem>>)
    %dma_wait3A = arith.constant 0 : i32
    %dma_wait3A_96 = arith.constant 0 : i32
    %dma_wait3A_97 = tpu.memref_slice %arg7[%dma_wait3A_96] : memref<2048xi32, #tpu.memory_space<vmem>> -> memref<1024xi32, #tpu.memory_space<vmem>>
    %dma_wait3A_98 = arith.constant 0 : i32
    %dma_wait3A_99 = tpu.memref_slice %arg4[%dma_wait3A, %dma_wait3A_98] : memref<4x1024xi32, #tpu.memory_space<hbm>> -> memref<1x1024xi32, #tpu.memory_space<hbm>>
    %dma_wait3A_100 = tpu.memref_squeeze %dma_wait3A_99 : memref<1x1024xi32, #tpu.memory_space<hbm>> -> memref<1024xi32, #tpu.memory_space<hbm>>
    %dma_wait3A_101 = arith.constant 0 : i32
    %dma_wait3A_102 = tpu.memref_slice %arg7[%dma_wait3A_101] : memref<2048xi32, #tpu.memory_space<vmem>> -> memref<1024xi32, #tpu.memory_space<vmem>>
    %dma_wait3A_103 = arith.constant 0 : i32
    %dma_wait3A_104 = tpu.memref_slice %arg4[%dma_wait3A, %dma_wait3A_103] : memref<4x1024xi32, #tpu.memory_space<hbm>> -> memref<1x1024xi32, #tpu.memory_space<hbm>>
    %dma_wait3A_105 = tpu.memref_squeeze %dma_wait3A_104 : memref<1x1024xi32, #tpu.memory_space<hbm>> -> memref<1024xi32, #tpu.memory_space<hbm>>
    tpu.wait_dma2 semaphore(%arg15 : memref<!tpu.dma_semaphore, #tpu.memory_space<semaphore_mem>>) src(%dma_wait3A_105 : memref<1024xi32, #tpu.memory_space<hbm>>) dst(%dma_wait3A_102 : memref<1024xi32, #tpu.memory_space<vmem>>)
    %dma_wait3A_106 = arith.constant 0 : i32
    %dma_wait3A_107 = arith.constant 1024 : i32
    %dma_wait3A_108 = tpu.memref_slice %arg7[%dma_wait3A_107] : memref<2048xi32, #tpu.memory_space<vmem>> -> memref<1024xi32, #tpu.memory_space<vmem>>
    %dma_wait3A_109 = arith.constant 0 : i32
    %dma_wait3A_110 = tpu.memref_slice %arg5[%dma_wait3A_106, %dma_wait3A_109] : memref<4x1024xi32, #tpu.memory_space<hbm>> -> memref<1x1024xi32, #tpu.memory_space<hbm>>
    %dma_wait3A_111 = tpu.memref_squeeze %dma_wait3A_110 : memref<1x1024xi32, #tpu.memory_space<hbm>> -> memref<1024xi32, #tpu.memory_space<hbm>>
    %dma_wait3A_112 = arith.constant 1024 : i32
    %dma_wait3A_113 = tpu.memref_slice %arg7[%dma_wait3A_112] : memref<2048xi32, #tpu.memory_space<vmem>> -> memref<1024xi32, #tpu.memory_space<vmem>>
    %dma_wait3A_114 = arith.constant 0 : i32
    %dma_wait3A_115 = tpu.memref_slice %arg5[%dma_wait3A_106, %dma_wait3A_114] : memref<4x1024xi32, #tpu.memory_space<hbm>> -> memref<1x1024xi32, #tpu.memory_space<hbm>>
    %dma_wait3A_116 = tpu.memref_squeeze %dma_wait3A_115 : memref<1x1024xi32, #tpu.memory_space<hbm>> -> memref<1024xi32, #tpu.memory_space<hbm>>
    tpu.wait_dma2 semaphore(%arg15 : memref<!tpu.dma_semaphore, #tpu.memory_space<semaphore_mem>>) src(%dma_wait3A_116 : memref<1024xi32, #tpu.memory_space<hbm>>) dst(%dma_wait3A_113 : memref<1024xi32, #tpu.memory_space<vmem>>)
    %dma_wait3A_117 = arith.constant 1 : i32
    %dma_wait3A_118 = arith.constant 0 : i32
    %dma_wait3A_119 = tpu.memref_slice %arg8[%dma_wait3A_118] : memref<2048xi32, #tpu.memory_space<vmem>> -> memref<1024xi32, #tpu.memory_space<vmem>>
    %dma_wait3A_120 = arith.constant 0 : i32
    %dma_wait3A_121 = tpu.memref_slice %arg4[%dma_wait3A_117, %dma_wait3A_120] : memref<4x1024xi32, #tpu.memory_space<hbm>> -> memref<1x1024xi32, #tpu.memory_space<hbm>>
    %dma_wait3A_122 = tpu.memref_squeeze %dma_wait3A_121 : memref<1x1024xi32, #tpu.memory_space<hbm>> -> memref<1024xi32, #tpu.memory_space<hbm>>
    %dma_wait3A_123 = arith.constant 0 : i32
    %dma_wait3A_124 = tpu.memref_slice %arg8[%dma_wait3A_123] : memref<2048xi32, #tpu.memory_space<vmem>> -> memref<1024xi32, #tpu.memory_space<vmem>>
    %dma_wait3A_125 = arith.constant 0 : i32
    %dma_wait3A_126 = tpu.memref_slice %arg4[%dma_wait3A_117, %dma_wait3A_125] : memref<4x1024xi32, #tpu.memory_space<hbm>> -> memref<1x1024xi32, #tpu.memory_space<hbm>>
    %dma_wait3A_127 = tpu.memref_squeeze %dma_wait3A_126 : memref<1x1024xi32, #tpu.memory_space<hbm>> -> memref<1024xi32, #tpu.memory_space<hbm>>
    tpu.wait_dma2 semaphore(%arg15 : memref<!tpu.dma_semaphore, #tpu.memory_space<semaphore_mem>>) src(%dma_wait3A_127 : memref<1024xi32, #tpu.memory_space<hbm>>) dst(%dma_wait3A_124 : memref<1024xi32, #tpu.memory_space<vmem>>)
    %dma_wait3A_128 = arith.constant 1 : i32
    %dma_wait3A_129 = arith.constant 1024 : i32
    %dma_wait3A_130 = tpu.memref_slice %arg8[%dma_wait3A_129] : memref<2048xi32, #tpu.memory_space<vmem>> -> memref<1024xi32, #tpu.memory_space<vmem>>
    %dma_wait3A_131 = arith.constant 0 : i32
    %dma_wait3A_132 = tpu.memref_slice %arg5[%dma_wait3A_128, %dma_wait3A_131] : memref<4x1024xi32, #tpu.memory_space<hbm>> -> memref<1x1024xi32, #tpu.memory_space<hbm>>
    %dma_wait3A_133 = tpu.memref_squeeze %dma_wait3A_132 : memref<1x1024xi32, #tpu.memory_space<hbm>> -> memref<1024xi32, #tpu.memory_space<hbm>>
    %dma_wait3A_134 = arith.constant 1024 : i32
    %dma_wait3A_135 = tpu.memref_slice %arg8[%dma_wait3A_134] : memref<2048xi32, #tpu.memory_space<vmem>> -> memref<1024xi32, #tpu.memory_space<vmem>>
    %dma_wait3A_136 = arith.constant 0 : i32
    %dma_wait3A_137 = tpu.memref_slice %arg5[%dma_wait3A_128, %dma_wait3A_136] : memref<4x1024xi32, #tpu.memory_space<hbm>> -> memref<1x1024xi32, #tpu.memory_space<hbm>>
    %dma_wait3A_138 = tpu.memref_squeeze %dma_wait3A_137 : memref<1x1024xi32, #tpu.memory_space<hbm>> -> memref<1024xi32, #tpu.memory_space<hbm>>
    tpu.wait_dma2 semaphore(%arg15 : memref<!tpu.dma_semaphore, #tpu.memory_space<semaphore_mem>>) src(%dma_wait3A_138 : memref<1024xi32, #tpu.memory_space<hbm>>) dst(%dma_wait3A_135 : memref<1024xi32, #tpu.memory_space<vmem>>)
    %dma_wait3A_139 = arith.constant 3 : i32
    %dma_wait3A_140 = arith.constant 0 : i32
    %dma_wait3A_141 = tpu.memref_slice %arg9[%dma_wait3A_140] : memref<2048xi32, #tpu.memory_space<vmem>> -> memref<1024xi32, #tpu.memory_space<vmem>>
    %dma_wait3A_142 = arith.constant 0 : i32
    %dma_wait3A_143 = tpu.memref_slice %arg4[%dma_wait3A_139, %dma_wait3A_142] : memref<4x1024xi32, #tpu.memory_space<hbm>> -> memref<1x1024xi32, #tpu.memory_space<hbm>>
    %dma_wait3A_144 = tpu.memref_squeeze %dma_wait3A_143 : memref<1x1024xi32, #tpu.memory_space<hbm>> -> memref<1024xi32, #tpu.memory_space<hbm>>
    %dma_wait3A_145 = arith.constant 0 : i32
    %dma_wait3A_146 = tpu.memref_slice %arg9[%dma_wait3A_145] : memref<2048xi32, #tpu.memory_space<vmem>> -> memref<1024xi32, #tpu.memory_space<vmem>>
    %dma_wait3A_147 = arith.constant 0 : i32
    %dma_wait3A_148 = tpu.memref_slice %arg4[%dma_wait3A_139, %dma_wait3A_147] : memref<4x1024xi32, #tpu.memory_space<hbm>> -> memref<1x1024xi32, #tpu.memory_space<hbm>>
    %dma_wait3A_149 = tpu.memref_squeeze %dma_wait3A_148 : memref<1x1024xi32, #tpu.memory_space<hbm>> -> memref<1024xi32, #tpu.memory_space<hbm>>
    tpu.wait_dma2 semaphore(%arg15 : memref<!tpu.dma_semaphore, #tpu.memory_space<semaphore_mem>>) src(%dma_wait3A_149 : memref<1024xi32, #tpu.memory_space<hbm>>) dst(%dma_wait3A_146 : memref<1024xi32, #tpu.memory_space<vmem>>)
    %dma_wait3A_150 = arith.constant 3 : i32
    %dma_wait3A_151 = arith.constant 1024 : i32
    %dma_wait3A_152 = tpu.memref_slice %arg9[%dma_wait3A_151] : memref<2048xi32, #tpu.memory_space<vmem>> -> memref<1024xi32, #tpu.memory_space<vmem>>
    %dma_wait3A_153 = arith.constant 0 : i32
    %dma_wait3A_154 = tpu.memref_slice %arg5[%dma_wait3A_150, %dma_wait3A_153] : memref<4x1024xi32, #tpu.memory_space<hbm>> -> memref<1x1024xi32, #tpu.memory_space<hbm>>
    %dma_wait3A_155 = tpu.memref_squeeze %dma_wait3A_154 : memref<1x1024xi32, #tpu.memory_space<hbm>> -> memref<1024xi32, #tpu.memory_space<hbm>>
    %dma_wait3A_156 = arith.constant 1024 : i32
    %dma_wait3A_157 = tpu.memref_slice %arg9[%dma_wait3A_156] : memref<2048xi32, #tpu.memory_space<vmem>> -> memref<1024xi32, #tpu.memory_space<vmem>>
    %dma_wait3A_158 = arith.constant 0 : i32
    %dma_wait3A_159 = tpu.memref_slice %arg5[%dma_wait3A_150, %dma_wait3A_158] : memref<4x1024xi32, #tpu.memory_space<hbm>> -> memref<1x1024xi32, #tpu.memory_space<hbm>>
    %dma_wait3A_160 = tpu.memref_squeeze %dma_wait3A_159 : memref<1x1024xi32, #tpu.memory_space<hbm>> -> memref<1024xi32, #tpu.memory_space<hbm>>
    tpu.wait_dma2 semaphore(%arg15 : memref<!tpu.dma_semaphore, #tpu.memory_space<semaphore_mem>>) src(%dma_wait3A_160 : memref<1024xi32, #tpu.memory_space<hbm>>) dst(%dma_wait3A_157 : memref<1024xi32, #tpu.memory_space<vmem>>)
    %dma_wait3A_161 = arith.constant 2 : i32
    %dma_wait3A_162 = arith.constant 0 : i32
    %dma_wait3A_163 = tpu.memref_slice %arg10[%dma_wait3A_162] : memref<2048xi32, #tpu.memory_space<vmem>> -> memref<1024xi32, #tpu.memory_space<vmem>>
    %dma_wait3A_164 = arith.constant 0 : i32
    %dma_wait3A_165 = tpu.memref_slice %arg4[%dma_wait3A_161, %dma_wait3A_164] : memref<4x1024xi32, #tpu.memory_space<hbm>> -> memref<1x1024xi32, #tpu.memory_space<hbm>>
    %dma_wait3A_166 = tpu.memref_squeeze %dma_wait3A_165 : memref<1x1024xi32, #tpu.memory_space<hbm>> -> memref<1024xi32, #tpu.memory_space<hbm>>
    %dma_wait3A_167 = arith.constant 0 : i32
    %dma_wait3A_168 = tpu.memref_slice %arg10[%dma_wait3A_167] : memref<2048xi32, #tpu.memory_space<vmem>> -> memref<1024xi32, #tpu.memory_space<vmem>>
    %dma_wait3A_169 = arith.constant 0 : i32
    %dma_wait3A_170 = tpu.memref_slice %arg4[%dma_wait3A_161, %dma_wait3A_169] : memref<4x1024xi32, #tpu.memory_space<hbm>> -> memref<1x1024xi32, #tpu.memory_space<hbm>>
    %dma_wait3A_171 = tpu.memref_squeeze %dma_wait3A_170 : memref<1x1024xi32, #tpu.memory_space<hbm>> -> memref<1024xi32, #tpu.memory_space<hbm>>
    tpu.wait_dma2 semaphore(%arg15 : memref<!tpu.dma_semaphore, #tpu.memory_space<semaphore_mem>>) src(%dma_wait3A_171 : memref<1024xi32, #tpu.memory_space<hbm>>) dst(%dma_wait3A_168 : memref<1024xi32, #tpu.memory_space<vmem>>)
    %dma_wait3A_172 = arith.constant 2 : i32
    %dma_wait3A_173 = arith.constant 1024 : i32
    %dma_wait3A_174 = tpu.memref_slice %arg10[%dma_wait3A_173] : memref<2048xi32, #tpu.memory_space<vmem>> -> memref<1024xi32, #tpu.memory_space<vmem>>
    %dma_wait3A_175 = arith.constant 0 : i32
    %dma_wait3A_176 = tpu.memref_slice %arg5[%dma_wait3A_172, %dma_wait3A_175] : memref<4x1024xi32, #tpu.memory_space<hbm>> -> memref<1x1024xi32, #tpu.memory_space<hbm>>
    %dma_wait3A_177 = tpu.memref_squeeze %dma_wait3A_176 : memref<1x1024xi32, #tpu.memory_space<hbm>> -> memref<1024xi32, #tpu.memory_space<hbm>>
    %dma_wait3A_178 = arith.constant 1024 : i32
    %dma_wait3A_179 = tpu.memref_slice %arg10[%dma_wait3A_178] : memref<2048xi32, #tpu.memory_space<vmem>> -> memref<1024xi32, #tpu.memory_space<vmem>>
    %dma_wait3A_180 = arith.constant 0 : i32
    %dma_wait3A_181 = tpu.memref_slice %arg5[%dma_wait3A_172, %dma_wait3A_180] : memref<4x1024xi32, #tpu.memory_space<hbm>> -> memref<1x1024xi32, #tpu.memory_space<hbm>>
    %dma_wait3A_182 = tpu.memref_squeeze %dma_wait3A_181 : memref<1x1024xi32, #tpu.memory_space<hbm>> -> memref<1024xi32, #tpu.memory_space<hbm>>
    tpu.wait_dma2 semaphore(%arg15 : memref<!tpu.dma_semaphore, #tpu.memory_space<semaphore_mem>>) src(%dma_wait3A_182 : memref<1024xi32, #tpu.memory_space<hbm>>) dst(%dma_wait3A_179 : memref<1024xi32, #tpu.memory_space<vmem>>)
    %add3A_183 = arith.constant 0 : i32
    %add3A_184 = arith.addi %add3A, %add3A_183 : i32
    %dma_wait3A_185 = arith.constant 0 : i32
    %dma_wait3A_186 = tpu.memref_slice %arg2[%add3A, %dma_wait3A_185] : memref<64x100000xf32, #tpu.memory_space<hbm>> -> memref<1x100000xf32, #tpu.memory_space<hbm>>
    %dma_wait3A_187 = tpu.memref_squeeze %dma_wait3A_186 : memref<1x100000xf32, #tpu.memory_space<hbm>> -> memref<100000xf32, #tpu.memory_space<hbm>>
    %dma_wait3A_188 = arith.constant 0 : i32
    %dma_wait3A_189 = tpu.memref_slice %arg2[%add3A, %dma_wait3A_188] : memref<64x100000xf32, #tpu.memory_space<hbm>> -> memref<1x100000xf32, #tpu.memory_space<hbm>>
    %dma_wait3A_190 = tpu.memref_squeeze %dma_wait3A_189 : memref<1x100000xf32, #tpu.memory_space<hbm>> -> memref<100000xf32, #tpu.memory_space<hbm>>
    tpu.wait_dma2 semaphore(%arg16 : memref<!tpu.dma_semaphore, #tpu.memory_space<semaphore_mem>>) src(%dma_wait3A_190 : memref<100000xf32, #tpu.memory_space<hbm>>) dst(%arg11 : memref<100000xf32, #tpu.memory_space<vmem>>)
    %scan3A = arith.constant 0 : i32
    %scan3A_191 = arith.constant 0 : i32
    %scan3A_192 = arith.constant 16 : i32
    %scan3A_193 = arith.addi %scan3A_191, %scan3A_192 : i32
    %scan3A_194 = arith.constant 1 : i32
    %scan3A_195 = scf.for %scan3A_232 = %scan3A_191 to %scan3A_193 step %scan3A_194 iter_args(%scan3A_233 = %scan3A) -> (i32)  : i32 {
      %mul3A_234 = arith.constant 128 : i32
      %mul3A_235 = arith.muli %scan3A_232, %mul3A_234 : i32
      %add3A_236 = arith.constant 0 : i32
      %add3A_237 = arith.addi %mul3A_235, %add3A_236 : i32
      %get3A = arith.index_cast %add3A_237 : i32 to index
      %get3A_238 = tpu.vector_load %arg7[%get3A] {strides = array<i32>} : memref<2048xi32, #tpu.memory_space<vmem>>, vector<16xi32>,
      %get3A_239 = arith.index_cast %add3A_237 : i32 to index
      %get3A_240 = tpu.vector_load %arg10[%get3A_239] {strides = array<i32>} : memref<2048xi32, #tpu.memory_space<vmem>>, vector<16xi32>,
      %gather3A = tpu.vector_load_idx %arg11[%get3A_238] : memref<100000xf32, #tpu.memory_space<vmem>>[vector<16xi32>], vector<16xf32>,
      %gather3A_241 = tpu.vector_load_idx %arg11[%get3A_240] : memref<100000xf32, #tpu.memory_space<vmem>>[vector<16xi32>], vector<16xf32>,
      %sub3A = arith.subf %gather3A, %gather3A_241 : vector<16xf32>
      %swap3A = arith.index_cast %scan3A_232 : i32 to index
      %swap3A_242 = arith.constant 0 : index
      %swap3A_243 = tpu.vector_load %arg12[%swap3A, %swap3A_242] {strides = array<i32>} : memref<16x128xf32, #tpu.memory_space<vmem>>, vector<16xf32>,
      tpu.vector_store %arg12[%swap3A, %swap3A_242], %sub3A {strides = array<i32>} : memref<16x128xf32, #tpu.memory_space<vmem>>, vector<16xf32>,
      %mul3A_244 = arith.constant 128 : i32
      %mul3A_245 = arith.muli %scan3A_232, %mul3A_244 : i32
      %add3A_246 = arith.constant 16 : i32
      %add3A_247 = arith.addi %mul3A_245, %add3A_246 : i32
      %get3A_248 = arith.index_cast %add3A_247 : i32 to index
      %get3A_249 = tpu.vector_load %arg7[%get3A_248] {strides = array<i32>} : memref<2048xi32, #tpu.memory_space<vmem>>, vector<16xi32>,
      %get3A_250 = arith.index_cast %add3A_247 : i32 to index
      %get3A_251 = tpu.vector_load %arg10[%get3A_250] {strides = array<i32>} : memref<2048xi32, #tpu.memory_space<vmem>>, vector<16xi32>,
      %gather3A_252 = tpu.vector_load_idx %arg11[%get3A_249] : memref<100000xf32, #tpu.memory_space<vmem>>[vector<16xi32>], vector<16xf32>,
      %gather3A_253 = tpu.vector_load_idx %arg11[%get3A_251] : memref<100000xf32, #tpu.memory_space<vmem>>[vector<16xi32>], vector<16xf32>,
      %sub3A_254 = arith.subf %gather3A_252, %gather3A_253 : vector<16xf32>
      %swap3A_255 = arith.index_cast %scan3A_232 : i32 to index
      %swap3A_256 = arith.constant 16 : index
      %swap3A_257 = tpu.vector_load %arg12[%swap3A_255, %swap3A_256] {strides = array<i32>} : memref<16x128xf32, #tpu.memory_space<vmem>>, vector<16xf32>,
      tpu.vector_store %arg12[%swap3A_255, %swap3A_256], %sub3A_254 {strides = array<i32>} : memref<16x128xf32, #tpu.memory_space<vmem>>, vector<16xf32>,
      %mul3A_258 = arith.constant 128 : i32
      %mul3A_259 = arith.muli %scan3A_232, %mul3A_258 : i32
      %add3A_260 = arith.constant 32 : i32
      %add3A_261 = arith.addi %mul3A_259, %add3A_260 : i32
      %get3A_262 = arith.index_cast %add3A_261 : i32 to index
      %get3A_263 = tpu.vector_load %arg7[%get3A_262] {strides = array<i32>} : memref<2048xi32, #tpu.memory_space<vmem>>, vector<16xi32>,
      %get3A_264 = arith.index_cast %add3A_261 : i32 to index
      %get3A_265 = tpu.vector_load %arg10[%get3A_264] {strides = array<i32>} : memref<2048xi32, #tpu.memory_space<vmem>>, vector<16xi32>,
      %gather3A_266 = tpu.vector_load_idx %arg11[%get3A_263] : memref<100000xf32, #tpu.memory_space<vmem>>[vector<16xi32>], vector<16xf32>,
      %gather3A_267 = tpu.vector_load_idx %arg11[%get3A_265] : memref<100000xf32, #tpu.memory_space<vmem>>[vector<16xi32>], vector<16xf32>,
      %sub3A_268 = arith.subf %gather3A_266, %gather3A_267 : vector<16xf32>
      %swap3A_269 = arith.index_cast %scan3A_232 : i32 to index
      %swap3A_270 = arith.constant 32 : index
      %swap3A_271 = tpu.vector_load %arg12[%swap3A_269, %swap3A_270] {strides = array<i32>} : memref<16x128xf32, #tpu.memory_space<vmem>>, vector<16xf32>,
      tpu.vector_store %arg12[%swap3A_269, %swap3A_270], %sub3A_268 {strides = array<i32>} : memref<16x128xf32, #tpu.memory_space<vmem>>, vector<16xf32>,
      %mul3A_272 = arith.constant 128 : i32
      %mul3A_273 = arith.muli %scan3A_232, %mul3A_272 : i32
      %add3A_274 = arith.constant 48 : i32
      %add3A_275 = arith.addi %mul3A_273, %add3A_274 : i32
      %get3A_276 = arith.index_cast %add3A_275 : i32 to index
      %get3A_277 = tpu.vector_load %arg7[%get3A_276] {strides = array<i32>} : memref<2048xi32, #tpu.memory_space<vmem>>, vector<16xi32>,
      %get3A_278 = arith.index_cast %add3A_275 : i32 to index
      %get3A_279 = tpu.vector_load %arg10[%get3A_278] {strides = array<i32>} : memref<2048xi32, #tpu.memory_space<vmem>>, vector<16xi32>,
      %gather3A_280 = tpu.vector_load_idx %arg11[%get3A_277] : memref<100000xf32, #tpu.memory_space<vmem>>[vector<16xi32>], vector<16xf32>,
      %gather3A_281 = tpu.vector_load_idx %arg11[%get3A_279] : memref<100000xf32, #tpu.memory_space<vmem>>[vector<16xi32>], vector<16xf32>,
      %sub3A_282 = arith.subf %gather3A_280, %gather3A_281 : vector<16xf32>
      %swap3A_283 = arith.index_cast %scan3A_232 : i32 to index
      %swap3A_284 = arith.constant 48 : index
      %swap3A_285 = tpu.vector_load %arg12[%swap3A_283, %swap3A_284] {strides = array<i32>} : memref<16x128xf32, #tpu.memory_space<vmem>>, vector<16xf32>,
      tpu.vector_store %arg12[%swap3A_283, %swap3A_284], %sub3A_282 {strides = array<i32>} : memref<16x128xf32, #tpu.memory_space<vmem>>, vector<16xf32>,
      %mul3A_286 = arith.constant 128 : i32
      %mul3A_287 = arith.muli %scan3A_232, %mul3A_286 : i32
      %add3A_288 = arith.constant 64 : i32
      %add3A_289 = arith.addi %mul3A_287, %add3A_288 : i32
      %get3A_290 = arith.index_cast %add3A_289 : i32 to index
      %get3A_291 = tpu.vector_load %arg7[%get3A_290] {strides = array<i32>} : memref<2048xi32, #tpu.memory_space<vmem>>, vector<16xi32>,
      %get3A_292 = arith.index_cast %add3A_289 : i32 to index
      %get3A_293 = tpu.vector_load %arg10[%get3A_292] {strides = array<i32>} : memref<2048xi32, #tpu.memory_space<vmem>>, vector<16xi32>,
      %gather3A_294 = tpu.vector_load_idx %arg11[%get3A_291] : memref<100000xf32, #tpu.memory_space<vmem>>[vector<16xi32>], vector<16xf32>,
      %gather3A_295 = tpu.vector_load_idx %arg11[%get3A_293] : memref<100000xf32, #tpu.memory_space<vmem>>[vector<16xi32>], vector<16xf32>,
      %sub3A_296 = arith.subf %gather3A_294, %gather3A_295 : vector<16xf32>
      %swap3A_297 = arith.index_cast %scan3A_232 : i32 to index
      %swap3A_298 = arith.constant 64 : index
      %swap3A_299 = tpu.vector_load %arg12[%swap3A_297, %swap3A_298] {strides = array<i32>} : memref<16x128xf32, #tpu.memory_space<vmem>>, vector<16xf32>,
      tpu.vector_store %arg12[%swap3A_297, %swap3A_298], %sub3A_296 {strides = array<i32>} : memref<16x128xf32, #tpu.memory_space<vmem>>, vector<16xf32>,
      %mul3A_300 = arith.constant 128 : i32
      %mul3A_301 = arith.muli %scan3A_232, %mul3A_300 : i32
      %add3A_302 = arith.constant 80 : i32
      %add3A_303 = arith.addi %mul3A_301, %add3A_302 : i32
      %get3A_304 = arith.index_cast %add3A_303 : i32 to index
      %get3A_305 = tpu.vector_load %arg7[%get3A_304] {strides = array<i32>} : memref<2048xi32, #tpu.memory_space<vmem>>, vector<16xi32>,
      %get3A_306 = arith.index_cast %add3A_303 : i32 to index
      %get3A_307 = tpu.vector_load %arg10[%get3A_306] {strides = array<i32>} : memref<2048xi32, #tpu.memory_space<vmem>>, vector<16xi32>,
      %gather3A_308 = tpu.vector_load_idx %arg11[%get3A_305] : memref<100000xf32, #tpu.memory_space<vmem>>[vector<16xi32>], vector<16xf32>,
      %gather3A_309 = tpu.vector_load_idx %arg11[%get3A_307] : memref<100000xf32, #tpu.memory_space<vmem>>[vector<16xi32>], vector<16xf32>,
      %sub3A_310 = arith.subf %gather3A_308, %gather3A_309 : vector<16xf32>
      %swap3A_311 = arith.index_cast %scan3A_232 : i32 to index
      %swap3A_312 = arith.constant 80 : index
      %swap3A_313 = tpu.vector_load %arg12[%swap3A_311, %swap3A_312] {strides = array<i32>} : memref<16x128xf32, #tpu.memory_space<vmem>>, vector<16xf32>,
      tpu.vector_store %arg12[%swap3A_311, %swap3A_312], %sub3A_310 {strides = array<i32>} : memref<16x128xf32, #tpu.memory_space<vmem>>, vector<16xf32>,
      %mul3A_314 = arith.constant 128 : i32
      %mul3A_315 = arith.muli %scan3A_232, %mul3A_314 : i32
      %add3A_316 = arith.constant 96 : i32
      %add3A_317 = arith.addi %mul3A_315, %add3A_316 : i32
      %get3A_318 = arith.index_cast %add3A_317 : i32 to index
      %get3A_319 = tpu.vector_load %arg7[%get3A_318] {strides = array<i32>} : memref<2048xi32, #tpu.memory_space<vmem>>, vector<16xi32>,
      %get3A_320 = arith.index_cast %add3A_317 : i32 to index
      %get3A_321 = tpu.vector_load %arg10[%get3A_320] {strides = array<i32>} : memref<2048xi32, #tpu.memory_space<vmem>>, vector<16xi32>,
      %gather3A_322 = tpu.vector_load_idx %arg11[%get3A_319] : memref<100000xf32, #tpu.memory_space<vmem>>[vector<16xi32>], vector<16xf32>,
      %gather3A_323 = tpu.vector_load_idx %arg11[%get3A_321] : memref<100000xf32, #tpu.memory_space<vmem>>[vector<16xi32>], vector<16xf32>,
      %sub3A_324 = arith.subf %gather3A_322, %gather3A_323 : vector<16xf32>
      %swap3A_325 = arith.index_cast %scan3A_232 : i32 to index
      %swap3A_326 = arith.constant 96 : index
      %swap3A_327 = tpu.vector_load %arg12[%swap3A_325, %swap3A_326] {strides = array<i32>} : memref<16x128xf32, #tpu.memory_space<vmem>>, vector<16xf32>,
      tpu.vector_store %arg12[%swap3A_325, %swap3A_326], %sub3A_324 {strides = array<i32>} : memref<16x128xf32, #tpu.memory_space<vmem>>, vector<16xf32>,
      %mul3A_328 = arith.constant 128 : i32
      %mul3A_329 = arith.muli %scan3A_232, %mul3A_328 : i32
      %add3A_330 = arith.constant 112 : i32
      %add3A_331 = arith.addi %mul3A_329, %add3A_330 : i32
      %get3A_332 = arith.index_cast %add3A_331 : i32 to index
      %get3A_333 = tpu.vector_load %arg7[%get3A_332] {strides = array<i32>} : memref<2048xi32, #tpu.memory_space<vmem>>, vector<16xi32>,
      %get3A_334 = arith.index_cast %add3A_331 : i32 to index
      %get3A_335 = tpu.vector_load %arg10[%get3A_334] {strides = array<i32>} : memref<2048xi32, #tpu.memory_space<vmem>>, vector<16xi32>,
      %gather3A_336 = tpu.vector_load_idx %arg11[%get3A_333] : memref<100000xf32, #tpu.memory_space<vmem>>[vector<16xi32>], vector<16xf32>,
      %gather3A_337 = tpu.vector_load_idx %arg11[%get3A_335] : memref<100000xf32, #tpu.memory_space<vmem>>[vector<16xi32>], vector<16xf32>,
      %sub3A_338 = arith.subf %gather3A_336, %gather3A_337 : vector<16xf32>
      %swap3A_339 = arith.index_cast %scan3A_232 : i32 to index
      %swap3A_340 = arith.constant 112 : index
      %swap3A_341 = tpu.vector_load %arg12[%swap3A_339, %swap3A_340] {strides = array<i32>} : memref<16x128xf32, #tpu.memory_space<vmem>>, vector<16xf32>,
      tpu.vector_store %arg12[%swap3A_339, %swap3A_340], %sub3A_338 {strides = array<i32>} : memref<16x128xf32, #tpu.memory_space<vmem>>, vector<16xf32>,
      %scan3A_342 = arith.constant 0 : i32
      scf.yield %scan3A_342 : i32
    }
    %scan3A_196 = arith.constant 16 : i32
    "tpu.region"() ({
      %run_scoped3A = tpu.sem_alloc : memref<!tpu.dma_semaphore, #tpu.memory_space<semaphore_mem>>
      %dma_start3A_232 = arith.constant 0 : i32
      %dma_start3A_233 = tpu.memref_slice %arg3[%add3A_184, %dma_start3A_232] : memref<64x100000xf32, #tpu.memory_space<hbm>> -> memref<1x100000xf32, #tpu.memory_space<hbm>>
      %dma_start3A_234 = tpu.memref_squeeze %dma_start3A_233 : memref<1x100000xf32, #tpu.memory_space<hbm>> -> memref<100000xf32, #tpu.memory_space<hbm>>
      %dma_start3A_235 = arith.constant 0 : i32
      %dma_start3A_236 = tpu.memref_slice %arg3[%add3A_184, %dma_start3A_235] : memref<64x100000xf32, #tpu.memory_space<hbm>> -> memref<1x100000xf32, #tpu.memory_space<hbm>>
      %dma_start3A_237 = tpu.memref_squeeze %dma_start3A_236 : memref<1x100000xf32, #tpu.memory_space<hbm>> -> memref<100000xf32, #tpu.memory_space<hbm>>
      tpu.enqueue_dma source(%dma_start3A_237 : memref<100000xf32, #tpu.memory_space<hbm>>) target(%arg11 : memref<100000xf32, #tpu.memory_space<vmem>>) target_semaphore(%run_scoped3A : memref<!tpu.dma_semaphore, #tpu.memory_space<semaphore_mem>>)
      %dma_wait3A_238 = arith.constant 0 : i32
      %dma_wait3A_239 = tpu.memref_slice %arg3[%add3A_184, %dma_wait3A_238] : memref<64x100000xf32, #tpu.memory_space<hbm>> -> memref<1x100000xf32, #tpu.memory_space<hbm>>
      %dma_wait3A_240 = tpu.memref_squeeze %dma_wait3A_239 : memref<1x100000xf32, #tpu.memory_space<hbm>> -> memref<100000xf32, #tpu.memory_space<hbm>>
      %dma_wait3A_241 = arith.constant 0 : i32
      %dma_wait3A_242 = tpu.memref_slice %arg3[%add3A_184, %dma_wait3A_241] : memref<64x100000xf32, #tpu.memory_space<hbm>> -> memref<1x100000xf32, #tpu.memory_space<hbm>>
      %dma_wait3A_243 = tpu.memref_squeeze %dma_wait3A_242 : memref<1x100000xf32, #tpu.memory_space<hbm>> -> memref<100000xf32, #tpu.memory_space<hbm>>
      tpu.wait_dma2 semaphore(%run_scoped3A : memref<!tpu.dma_semaphore, #tpu.memory_space<semaphore_mem>>) src(%dma_wait3A_243 : memref<100000xf32, #tpu.memory_space<hbm>>) dst(%arg11 : memref<100000xf32, #tpu.memory_space<vmem>>)
      tpu.yield
    }) : () -> ()
    %scan3A_197 = arith.constant 0 : i32
    %scan3A_198 = arith.constant 0 : i32
    %scan3A_199 = arith.constant 16 : i32
    %scan3A_200 = arith.addi %scan3A_198, %scan3A_199 : i32
    %scan3A_201 = arith.constant 1 : i32
    %scan3A_202 = scf.for %scan3A_232 = %scan3A_198 to %scan3A_200 step %scan3A_201 iter_args(%scan3A_233 = %scan3A_197) -> (i32)  : i32 {
      %mul3A_234 = arith.constant 128 : i32
      %mul3A_235 = arith.muli %scan3A_232, %mul3A_234 : i32
      %add3A_236 = arith.constant 0 : i32
      %add3A_237 = arith.addi %mul3A_235, %add3A_236 : i32
      %get3A = arith.index_cast %add3A_237 : i32 to index
      %get3A_238 = tpu.vector_load %arg8[%get3A] {strides = array<i32>} : memref<2048xi32, #tpu.memory_space<vmem>>, vector<16xi32>,
      %get3A_239 = arith.index_cast %add3A_237 : i32 to index
      %get3A_240 = tpu.vector_load %arg9[%get3A_239] {strides = array<i32>} : memref<2048xi32, #tpu.memory_space<vmem>>, vector<16xi32>,
      %gather3A = tpu.vector_load_idx %arg11[%get3A_238] : memref<100000xf32, #tpu.memory_space<vmem>>[vector<16xi32>], vector<16xf32>,
      %gather3A_241 = tpu.vector_load_idx %arg11[%get3A_240] : memref<100000xf32, #tpu.memory_space<vmem>>[vector<16xi32>], vector<16xf32>,
      %get3A_242 = arith.index_cast %scan3A_232 : i32 to index
      %get3A_243 = arith.constant 0 : index
      %get3A_244 = tpu.vector_load %arg12[%get3A_242, %get3A_243] {strides = array<i32>} : memref<16x128xf32, #tpu.memory_space<vmem>>, vector<16xf32>,
      %add3A_245 = arith.addf %get3A_244, %gather3A : vector<16xf32>
      %add3A_246 = arith.addf %add3A_245, %gather3A_241 : vector<16xf32>
      %mul3A_247 = arith.mulf %add3A_246, %add3A_246 : vector<16xf32>
      %swap3A = arith.index_cast %scan3A_232 : i32 to index
      %swap3A_248 = arith.constant 0 : index
      %swap3A_249 = tpu.vector_load %arg13[%swap3A, %swap3A_248] {strides = array<i32>} : memref<16x128xf32, #tpu.memory_space<vmem>>, vector<16xf32>,
      tpu.vector_store %arg13[%swap3A, %swap3A_248], %mul3A_247 {strides = array<i32>} : memref<16x128xf32, #tpu.memory_space<vmem>>, vector<16xf32>,
      %mul3A_250 = arith.constant 128 : i32
      %mul3A_251 = arith.muli %scan3A_232, %mul3A_250 : i32
      %add3A_252 = arith.constant 16 : i32
      %add3A_253 = arith.addi %mul3A_251, %add3A_252 : i32
      %get3A_254 = arith.index_cast %add3A_253 : i32 to index
      %get3A_255 = tpu.vector_load %arg8[%get3A_254] {strides = array<i32>} : memref<2048xi32, #tpu.memory_space<vmem>>, vector<16xi32>,
      %get3A_256 = arith.index_cast %add3A_253 : i32 to index
      %get3A_257 = tpu.vector_load %arg9[%get3A_256] {strides = array<i32>} : memref<2048xi32, #tpu.memory_space<vmem>>, vector<16xi32>,
      %gather3A_258 = tpu.vector_load_idx %arg11[%get3A_255] : memref<100000xf32, #tpu.memory_space<vmem>>[vector<16xi32>], vector<16xf32>,
      %gather3A_259 = tpu.vector_load_idx %arg11[%get3A_257] : memref<100000xf32, #tpu.memory_space<vmem>>[vector<16xi32>], vector<16xf32>,
      %get3A_260 = arith.index_cast %scan3A_232 : i32 to index
      %get3A_261 = arith.constant 16 : index
      %get3A_262 = tpu.vector_load %arg12[%get3A_260, %get3A_261] {strides = array<i32>} : memref<16x128xf32, #tpu.memory_space<vmem>>, vector<16xf32>,
      %add3A_263 = arith.addf %get3A_262, %gather3A_258 : vector<16xf32>
      %add3A_264 = arith.addf %add3A_263, %gather3A_259 : vector<16xf32>
      %mul3A_265 = arith.mulf %add3A_264, %add3A_264 : vector<16xf32>
      %swap3A_266 = arith.index_cast %scan3A_232 : i32 to index
      %swap3A_267 = arith.constant 16 : index
      %swap3A_268 = tpu.vector_load %arg13[%swap3A_266, %swap3A_267] {strides = array<i32>} : memref<16x128xf32, #tpu.memory_space<vmem>>, vector<16xf32>,
      tpu.vector_store %arg13[%swap3A_266, %swap3A_267], %mul3A_265 {strides = array<i32>} : memref<16x128xf32, #tpu.memory_space<vmem>>, vector<16xf32>,
      %mul3A_269 = arith.constant 128 : i32
      %mul3A_270 = arith.muli %scan3A_232, %mul3A_269 : i32
      %add3A_271 = arith.constant 32 : i32
      %add3A_272 = arith.addi %mul3A_270, %add3A_271 : i32
      %get3A_273 = arith.index_cast %add3A_272 : i32 to index
      %get3A_274 = tpu.vector_load %arg8[%get3A_273] {strides = array<i32>} : memref<2048xi32, #tpu.memory_space<vmem>>, vector<16xi32>,
      %get3A_275 = arith.index_cast %add3A_272 : i32 to index
      %get3A_276 = tpu.vector_load %arg9[%get3A_275] {strides = array<i32>} : memref<2048xi32, #tpu.memory_space<vmem>>, vector<16xi32>,
      %gather3A_277 = tpu.vector_load_idx %arg11[%get3A_274] : memref<100000xf32, #tpu.memory_space<vmem>>[vector<16xi32>], vector<16xf32>,
      %gather3A_278 = tpu.vector_load_idx %arg11[%get3A_276] : memref<100000xf32, #tpu.memory_space<vmem>>[vector<16xi32>], vector<16xf32>,
      %get3A_279 = arith.index_cast %scan3A_232 : i32 to index
      %get3A_280 = arith.constant 32 : index
      %get3A_281 = tpu.vector_load %arg12[%get3A_279, %get3A_280] {strides = array<i32>} : memref<16x128xf32, #tpu.memory_space<vmem>>, vector<16xf32>,
      %add3A_282 = arith.addf %get3A_281, %gather3A_277 : vector<16xf32>
      %add3A_283 = arith.addf %add3A_282, %gather3A_278 : vector<16xf32>
      %mul3A_284 = arith.mulf %add3A_283, %add3A_283 : vector<16xf32>
      %swap3A_285 = arith.index_cast %scan3A_232 : i32 to index
      %swap3A_286 = arith.constant 32 : index
      %swap3A_287 = tpu.vector_load %arg13[%swap3A_285, %swap3A_286] {strides = array<i32>} : memref<16x128xf32, #tpu.memory_space<vmem>>, vector<16xf32>,
      tpu.vector_store %arg13[%swap3A_285, %swap3A_286], %mul3A_284 {strides = array<i32>} : memref<16x128xf32, #tpu.memory_space<vmem>>, vector<16xf32>,
      %mul3A_288 = arith.constant 128 : i32
      %mul3A_289 = arith.muli %scan3A_232, %mul3A_288 : i32
      %add3A_290 = arith.constant 48 : i32
      %add3A_291 = arith.addi %mul3A_289, %add3A_290 : i32
      %get3A_292 = arith.index_cast %add3A_291 : i32 to index
      %get3A_293 = tpu.vector_load %arg8[%get3A_292] {strides = array<i32>} : memref<2048xi32, #tpu.memory_space<vmem>>, vector<16xi32>,
      %get3A_294 = arith.index_cast %add3A_291 : i32 to index
      %get3A_295 = tpu.vector_load %arg9[%get3A_294] {strides = array<i32>} : memref<2048xi32, #tpu.memory_space<vmem>>, vector<16xi32>,
      %gather3A_296 = tpu.vector_load_idx %arg11[%get3A_293] : memref<100000xf32, #tpu.memory_space<vmem>>[vector<16xi32>], vector<16xf32>,
      %gather3A_297 = tpu.vector_load_idx %arg11[%get3A_295] : memref<100000xf32, #tpu.memory_space<vmem>>[vector<16xi32>], vector<16xf32>,
      %get3A_298 = arith.index_cast %scan3A_232 : i32 to index
      %get3A_299 = arith.constant 48 : index
      %get3A_300 = tpu.vector_load %arg12[%get3A_298, %get3A_299] {strides = array<i32>} : memref<16x128xf32, #tpu.memory_space<vmem>>, vector<16xf32>,
      %add3A_301 = arith.addf %get3A_300, %gather3A_296 : vector<16xf32>
      %add3A_302 = arith.addf %add3A_301, %gather3A_297 : vector<16xf32>
      %mul3A_303 = arith.mulf %add3A_302, %add3A_302 : vector<16xf32>
      %swap3A_304 = arith.index_cast %scan3A_232 : i32 to index
      %swap3A_305 = arith.constant 48 : index
      %swap3A_306 = tpu.vector_load %arg13[%swap3A_304, %swap3A_305] {strides = array<i32>} : memref<16x128xf32, #tpu.memory_space<vmem>>, vector<16xf32>,
      tpu.vector_store %arg13[%swap3A_304, %swap3A_305], %mul3A_303 {strides = array<i32>} : memref<16x128xf32, #tpu.memory_space<vmem>>, vector<16xf32>,
      %mul3A_307 = arith.constant 128 : i32
      %mul3A_308 = arith.muli %scan3A_232, %mul3A_307 : i32
      %add3A_309 = arith.constant 64 : i32
      %add3A_310 = arith.addi %mul3A_308, %add3A_309 : i32
      %get3A_311 = arith.index_cast %add3A_310 : i32 to index
      %get3A_312 = tpu.vector_load %arg8[%get3A_311] {strides = array<i32>} : memref<2048xi32, #tpu.memory_space<vmem>>, vector<16xi32>,
      %get3A_313 = arith.index_cast %add3A_310 : i32 to index
      %get3A_314 = tpu.vector_load %arg9[%get3A_313] {strides = array<i32>} : memref<2048xi32, #tpu.memory_space<vmem>>, vector<16xi32>,
      %gather3A_315 = tpu.vector_load_idx %arg11[%get3A_312] : memref<100000xf32, #tpu.memory_space<vmem>>[vector<16xi32>], vector<16xf32>,
      %gather3A_316 = tpu.vector_load_idx %arg11[%get3A_314] : memref<100000xf32, #tpu.memory_space<vmem>>[vector<16xi32>], vector<16xf32>,
      %get3A_317 = arith.index_cast %scan3A_232 : i32 to index
      %get3A_318 = arith.constant 64 : index
      %get3A_319 = tpu.vector_load %arg12[%get3A_317, %get3A_318] {strides = array<i32>} : memref<16x128xf32, #tpu.memory_space<vmem>>, vector<16xf32>,
      %add3A_320 = arith.addf %get3A_319, %gather3A_315 : vector<16xf32>
      %add3A_321 = arith.addf %add3A_320, %gather3A_316 : vector<16xf32>
      %mul3A_322 = arith.mulf %add3A_321, %add3A_321 : vector<16xf32>
      %swap3A_323 = arith.index_cast %scan3A_232 : i32 to index
      %swap3A_324 = arith.constant 64 : index
      %swap3A_325 = tpu.vector_load %arg13[%swap3A_323, %swap3A_324] {strides = array<i32>} : memref<16x128xf32, #tpu.memory_space<vmem>>, vector<16xf32>,
      tpu.vector_store %arg13[%swap3A_323, %swap3A_324], %mul3A_322 {strides = array<i32>} : memref<16x128xf32, #tpu.memory_space<vmem>>, vector<16xf32>,
      %mul3A_326 = arith.constant 128 : i32
      %mul3A_327 = arith.muli %scan3A_232, %mul3A_326 : i32
      %add3A_328 = arith.constant 80 : i32
      %add3A_329 = arith.addi %mul3A_327, %add3A_328 : i32
      %get3A_330 = arith.index_cast %add3A_329 : i32 to index
      %get3A_331 = tpu.vector_load %arg8[%get3A_330] {strides = array<i32>} : memref<2048xi32, #tpu.memory_space<vmem>>, vector<16xi32>,
      %get3A_332 = arith.index_cast %add3A_329 : i32 to index
      %get3A_333 = tpu.vector_load %arg9[%get3A_332] {strides = array<i32>} : memref<2048xi32, #tpu.memory_space<vmem>>, vector<16xi32>,
      %gather3A_334 = tpu.vector_load_idx %arg11[%get3A_331] : memref<100000xf32, #tpu.memory_space<vmem>>[vector<16xi32>], vector<16xf32>,
      %gather3A_335 = tpu.vector_load_idx %arg11[%get3A_333] : memref<100000xf32, #tpu.memory_space<vmem>>[vector<16xi32>], vector<16xf32>,
      %get3A_336 = arith.index_cast %scan3A_232 : i32 to index
      %get3A_337 = arith.constant 80 : index
      %get3A_338 = tpu.vector_load %arg12[%get3A_336, %get3A_337] {strides = array<i32>} : memref<16x128xf32, #tpu.memory_space<vmem>>, vector<16xf32>,
      %add3A_339 = arith.addf %get3A_338, %gather3A_334 : vector<16xf32>
      %add3A_340 = arith.addf %add3A_339, %gather3A_335 : vector<16xf32>
      %mul3A_341 = arith.mulf %add3A_340, %add3A_340 : vector<16xf32>
      %swap3A_342 = arith.index_cast %scan3A_232 : i32 to index
      %swap3A_343 = arith.constant 80 : index
      %swap3A_344 = tpu.vector_load %arg13[%swap3A_342, %swap3A_343] {strides = array<i32>} : memref<16x128xf32, #tpu.memory_space<vmem>>, vector<16xf32>,
      tpu.vector_store %arg13[%swap3A_342, %swap3A_343], %mul3A_341 {strides = array<i32>} : memref<16x128xf32, #tpu.memory_space<vmem>>, vector<16xf32>,
      %mul3A_345 = arith.constant 128 : i32
      %mul3A_346 = arith.muli %scan3A_232, %mul3A_345 : i32
      %add3A_347 = arith.constant 96 : i32
      %add3A_348 = arith.addi %mul3A_346, %add3A_347 : i32
      %get3A_349 = arith.index_cast %add3A_348 : i32 to index
      %get3A_350 = tpu.vector_load %arg8[%get3A_349] {strides = array<i32>} : memref<2048xi32, #tpu.memory_space<vmem>>, vector<16xi32>,
      %get3A_351 = arith.index_cast %add3A_348 : i32 to index
      %get3A_352 = tpu.vector_load %arg9[%get3A_351] {strides = array<i32>} : memref<2048xi32, #tpu.memory_space<vmem>>, vector<16xi32>,
      %gather3A_353 = tpu.vector_load_idx %arg11[%get3A_350] : memref<100000xf32, #tpu.memory_space<vmem>>[vector<16xi32>], vector<16xf32>,
      %gather3A_354 = tpu.vector_load_idx %arg11[%get3A_352] : memref<100000xf32, #tpu.memory_space<vmem>>[vector<16xi32>], vector<16xf32>,
      %get3A_355 = arith.index_cast %scan3A_232 : i32 to index
      %get3A_356 = arith.constant 96 : index
      %get3A_357 = tpu.vector_load %arg12[%get3A_355, %get3A_356] {strides = array<i32>} : memref<16x128xf32, #tpu.memory_space<vmem>>, vector<16xf32>,
      %add3A_358 = arith.addf %get3A_357, %gather3A_353 : vector<16xf32>
      %add3A_359 = arith.addf %add3A_358, %gather3A_354 : vector<16xf32>
      %mul3A_360 = arith.mulf %add3A_359, %add3A_359 : vector<16xf32>
      %swap3A_361 = arith.index_cast %scan3A_232 : i32 to index
      %swap3A_362 = arith.constant 96 : index
      %swap3A_363 = tpu.vector_load %arg13[%swap3A_361, %swap3A_362] {strides = array<i32>} : memref<16x128xf32, #tpu.memory_space<vmem>>, vector<16xf32>,
      tpu.vector_store %arg13[%swap3A_361, %swap3A_362], %mul3A_360 {strides = array<i32>} : memref<16x128xf32, #tpu.memory_space<vmem>>, vector<16xf32>,
      %mul3A_364 = arith.constant 128 : i32
      %mul3A_365 = arith.muli %scan3A_232, %mul3A_364 : i32
      %add3A_366 = arith.constant 112 : i32
      %add3A_367 = arith.addi %mul3A_365, %add3A_366 : i32
      %get3A_368 = arith.index_cast %add3A_367 : i32 to index
      %get3A_369 = tpu.vector_load %arg8[%get3A_368] {strides = array<i32>} : memref<2048xi32, #tpu.memory_space<vmem>>, vector<16xi32>,
      %get3A_370 = arith.index_cast %add3A_367 : i32 to index
      %get3A_371 = tpu.vector_load %arg9[%get3A_370] {strides = array<i32>} : memref<2048xi32, #tpu.memory_space<vmem>>, vector<16xi32>,
      %gather3A_372 = tpu.vector_load_idx %arg11[%get3A_369] : memref<100000xf32, #tpu.memory_space<vmem>>[vector<16xi32>], vector<16xf32>,
      %gather3A_373 = tpu.vector_load_idx %arg11[%get3A_371] : memref<100000xf32, #tpu.memory_space<vmem>>[vector<16xi32>], vector<16xf32>,
      %get3A_374 = arith.index_cast %scan3A_232 : i32 to index
      %get3A_375 = arith.constant 112 : index
      %get3A_376 = tpu.vector_load %arg12[%get3A_374, %get3A_375] {strides = array<i32>} : memref<16x128xf32, #tpu.memory_space<vmem>>, vector<16xf32>,
      %add3A_377 = arith.addf %get3A_376, %gather3A_372 : vector<16xf32>
      %add3A_378 = arith.addf %add3A_377, %gather3A_373 : vector<16xf32>
      %mul3A_379 = arith.mulf %add3A_378, %add3A_378 : vector<16xf32>
      %swap3A_380 = arith.index_cast %scan3A_232 : i32 to index
      %swap3A_381 = arith.constant 112 : index
      %swap3A_382 = tpu.vector_load %arg13[%swap3A_380, %swap3A_381] {strides = array<i32>} : memref<16x128xf32, #tpu.memory_space<vmem>>, vector<16xf32>,
      tpu.vector_store %arg13[%swap3A_380, %swap3A_381], %mul3A_379 {strides = array<i32>} : memref<16x128xf32, #tpu.memory_space<vmem>>, vector<16xf32>,
      %scan3A_383 = arith.constant 0 : i32
      scf.yield %scan3A_383 : i32
    }
    %scan3A_203 = arith.constant 16 : i32
    %add3A_204 = arith.constant 1 : i32
    %add3A_205 = arith.addi %add3A, %add3A_204 : i32
    "tpu.region"() ({
      %run_scoped3A = tpu.sem_alloc : memref<!tpu.dma_semaphore, #tpu.memory_space<semaphore_mem>>
      %dma_start3A_232 = arith.constant 0 : i32
      %dma_start3A_233 = tpu.memref_slice %arg2[%add3A_205, %dma_start3A_232] : memref<64x100000xf32, #tpu.memory_space<hbm>> -> memref<1x100000xf32, #tpu.memory_space<hbm>>
      %dma_start3A_234 = tpu.memref_squeeze %dma_start3A_233 : memref<1x100000xf32, #tpu.memory_space<hbm>> -> memref<100000xf32, #tpu.memory_space<hbm>>
      %dma_start3A_235 = arith.constant 0 : i32
      %dma_start3A_236 = tpu.memref_slice %arg2[%add3A_205, %dma_start3A_235] : memref<64x100000xf32, #tpu.memory_space<hbm>> -> memref<1x100000xf32, #tpu.memory_space<hbm>>
      %dma_start3A_237 = tpu.memref_squeeze %dma_start3A_236 : memref<1x100000xf32, #tpu.memory_space<hbm>> -> memref<100000xf32, #tpu.memory_space<hbm>>
      tpu.enqueue_dma source(%dma_start3A_237 : memref<100000xf32, #tpu.memory_space<hbm>>) target(%arg11 : memref<100000xf32, #tpu.memory_space<vmem>>) target_semaphore(%run_scoped3A : memref<!tpu.dma_semaphore, #tpu.memory_space<semaphore_mem>>)
      %dma_wait3A_238 = arith.constant 0 : i32
      %dma_wait3A_239 = tpu.memref_slice %arg2[%add3A_205, %dma_wait3A_238] : memref<64x100000xf32, #tpu.memory_space<hbm>> -> memref<1x100000xf32, #tpu.memory_space<hbm>>
      %dma_wait3A_240 = tpu.memref_squeeze %dma_wait3A_239 : memref<1x100000xf32, #tpu.memory_space<hbm>> -> memref<100000xf32, #tpu.memory_space<hbm>>
      %dma_wait3A_241 = arith.constant 0 : i32
      %dma_wait3A_242 = tpu.memref_slice %arg2[%add3A_205, %dma_wait3A_241] : memref<64x100000xf32, #tpu.memory_space<hbm>> -> memref<1x100000xf32, #tpu.memory_space<hbm>>
      %dma_wait3A_243 = tpu.memref_squeeze %dma_wait3A_242 : memref<1x100000xf32, #tpu.memory_space<hbm>> -> memref<100000xf32, #tpu.memory_space<hbm>>
      tpu.wait_dma2 semaphore(%run_scoped3A : memref<!tpu.dma_semaphore, #tpu.memory_space<semaphore_mem>>) src(%dma_wait3A_243 : memref<100000xf32, #tpu.memory_space<hbm>>) dst(%arg11 : memref<100000xf32, #tpu.memory_space<vmem>>)
      tpu.yield
    }) : () -> ()
    %scan3A_206 = arith.constant 0 : i32
    %scan3A_207 = arith.constant 0 : i32
    %scan3A_208 = arith.constant 16 : i32
    %scan3A_209 = arith.addi %scan3A_207, %scan3A_208 : i32
    %scan3A_210 = arith.constant 1 : i32
    %scan3A_211 = scf.for %scan3A_232 = %scan3A_207 to %scan3A_209 step %scan3A_210 iter_args(%scan3A_233 = %scan3A_206) -> (i32)  : i32 {
      %mul3A_234 = arith.constant 128 : i32
      %mul3A_235 = arith.muli %scan3A_232, %mul3A_234 : i32
      %add3A_236 = arith.constant 0 : i32
      %add3A_237 = arith.addi %mul3A_235, %add3A_236 : i32
      %get3A = arith.index_cast %add3A_237 : i32 to index
      %get3A_238 = tpu.vector_load %arg7[%get3A] {strides = array<i32>} : memref<2048xi32, #tpu.memory_space<vmem>>, vector<16xi32>,
      %get3A_239 = arith.index_cast %add3A_237 : i32 to index
      %get3A_240 = tpu.vector_load %arg10[%get3A_239] {strides = array<i32>} : memref<2048xi32, #tpu.memory_space<vmem>>, vector<16xi32>,
      %gather3A = tpu.vector_load_idx %arg11[%get3A_238] : memref<100000xf32, #tpu.memory_space<vmem>>[vector<16xi32>], vector<16xf32>,
      %gather3A_241 = tpu.vector_load_idx %arg11[%get3A_240] : memref<100000xf32, #tpu.memory_space<vmem>>[vector<16xi32>], vector<16xf32>,
      %sub3A = arith.subf %gather3A, %gather3A_241 : vector<16xf32>
      %swap3A = arith.index_cast %scan3A_232 : i32 to index
      %swap3A_242 = arith.constant 0 : index
      %swap3A_243 = tpu.vector_load %arg12[%swap3A, %swap3A_242] {strides = array<i32>} : memref<16x128xf32, #tpu.memory_space<vmem>>, vector<16xf32>,
      tpu.vector_store %arg12[%swap3A, %swap3A_242], %sub3A {strides = array<i32>} : memref<16x128xf32, #tpu.memory_space<vmem>>, vector<16xf32>,
      %mul3A_244 = arith.constant 128 : i32
      %mul3A_245 = arith.muli %scan3A_232, %mul3A_244 : i32
      %add3A_246 = arith.constant 16 : i32
      %add3A_247 = arith.addi %mul3A_245, %add3A_246 : i32
      %get3A_248 = arith.index_cast %add3A_247 : i32 to index
      %get3A_249 = tpu.vector_load %arg7[%get3A_248] {strides = array<i32>} : memref<2048xi32, #tpu.memory_space<vmem>>, vector<16xi32>,
      %get3A_250 = arith.index_cast %add3A_247 : i32 to index
      %get3A_251 = tpu.vector_load %arg10[%get3A_250] {strides = array<i32>} : memref<2048xi32, #tpu.memory_space<vmem>>, vector<16xi32>,
      %gather3A_252 = tpu.vector_load_idx %arg11[%get3A_249] : memref<100000xf32, #tpu.memory_space<vmem>>[vector<16xi32>], vector<16xf32>,
      %gather3A_253 = tpu.vector_load_idx %arg11[%get3A_251] : memref<100000xf32, #tpu.memory_space<vmem>>[vector<16xi32>], vector<16xf32>,
      %sub3A_254 = arith.subf %gather3A_252, %gather3A_253 : vector<16xf32>
      %swap3A_255 = arith.index_cast %scan3A_232 : i32 to index
      %swap3A_256 = arith.constant 16 : index
      %swap3A_257 = tpu.vector_load %arg12[%swap3A_255, %swap3A_256] {strides = array<i32>} : memref<16x128xf32, #tpu.memory_space<vmem>>, vector<16xf32>,
      tpu.vector_store %arg12[%swap3A_255, %swap3A_256], %sub3A_254 {strides = array<i32>} : memref<16x128xf32, #tpu.memory_space<vmem>>, vector<16xf32>,
      %mul3A_258 = arith.constant 128 : i32
      %mul3A_259 = arith.muli %scan3A_232, %mul3A_258 : i32
      %add3A_260 = arith.constant 32 : i32
      %add3A_261 = arith.addi %mul3A_259, %add3A_260 : i32
      %get3A_262 = arith.index_cast %add3A_261 : i32 to index
      %get3A_263 = tpu.vector_load %arg7[%get3A_262] {strides = array<i32>} : memref<2048xi32, #tpu.memory_space<vmem>>, vector<16xi32>,
      %get3A_264 = arith.index_cast %add3A_261 : i32 to index
      %get3A_265 = tpu.vector_load %arg10[%get3A_264] {strides = array<i32>} : memref<2048xi32, #tpu.memory_space<vmem>>, vector<16xi32>,
      %gather3A_266 = tpu.vector_load_idx %arg11[%get3A_263] : memref<100000xf32, #tpu.memory_space<vmem>>[vector<16xi32>], vector<16xf32>,
      %gather3A_267 = tpu.vector_load_idx %arg11[%get3A_265] : memref<100000xf32, #tpu.memory_space<vmem>>[vector<16xi32>], vector<16xf32>,
      %sub3A_268 = arith.subf %gather3A_266, %gather3A_267 : vector<16xf32>
      %swap3A_269 = arith.index_cast %scan3A_232 : i32 to index
      %swap3A_270 = arith.constant 32 : index
      %swap3A_271 = tpu.vector_load %arg12[%swap3A_269, %swap3A_270] {strides = array<i32>} : memref<16x128xf32, #tpu.memory_space<vmem>>, vector<16xf32>,
      tpu.vector_store %arg12[%swap3A_269, %swap3A_270], %sub3A_268 {strides = array<i32>} : memref<16x128xf32, #tpu.memory_space<vmem>>, vector<16xf32>,
      %mul3A_272 = arith.constant 128 : i32
      %mul3A_273 = arith.muli %scan3A_232, %mul3A_272 : i32
      %add3A_274 = arith.constant 48 : i32
      %add3A_275 = arith.addi %mul3A_273, %add3A_274 : i32
      %get3A_276 = arith.index_cast %add3A_275 : i32 to index
      %get3A_277 = tpu.vector_load %arg7[%get3A_276] {strides = array<i32>} : memref<2048xi32, #tpu.memory_space<vmem>>, vector<16xi32>,
      %get3A_278 = arith.index_cast %add3A_275 : i32 to index
      %get3A_279 = tpu.vector_load %arg10[%get3A_278] {strides = array<i32>} : memref<2048xi32, #tpu.memory_space<vmem>>, vector<16xi32>,
      %gather3A_280 = tpu.vector_load_idx %arg11[%get3A_277] : memref<100000xf32, #tpu.memory_space<vmem>>[vector<16xi32>], vector<16xf32>,
      %gather3A_281 = tpu.vector_load_idx %arg11[%get3A_279] : memref<100000xf32, #tpu.memory_space<vmem>>[vector<16xi32>], vector<16xf32>,
      %sub3A_282 = arith.subf %gather3A_280, %gather3A_281 : vector<16xf32>
      %swap3A_283 = arith.index_cast %scan3A_232 : i32 to index
      %swap3A_284 = arith.constant 48 : index
      %swap3A_285 = tpu.vector_load %arg12[%swap3A_283, %swap3A_284] {strides = array<i32>} : memref<16x128xf32, #tpu.memory_space<vmem>>, vector<16xf32>,
      tpu.vector_store %arg12[%swap3A_283, %swap3A_284], %sub3A_282 {strides = array<i32>} : memref<16x128xf32, #tpu.memory_space<vmem>>, vector<16xf32>,
      %mul3A_286 = arith.constant 128 : i32
      %mul3A_287 = arith.muli %scan3A_232, %mul3A_286 : i32
      %add3A_288 = arith.constant 64 : i32
      %add3A_289 = arith.addi %mul3A_287, %add3A_288 : i32
      %get3A_290 = arith.index_cast %add3A_289 : i32 to index
      %get3A_291 = tpu.vector_load %arg7[%get3A_290] {strides = array<i32>} : memref<2048xi32, #tpu.memory_space<vmem>>, vector<16xi32>,
      %get3A_292 = arith.index_cast %add3A_289 : i32 to index
      %get3A_293 = tpu.vector_load %arg10[%get3A_292] {strides = array<i32>} : memref<2048xi32, #tpu.memory_space<vmem>>, vector<16xi32>,
      %gather3A_294 = tpu.vector_load_idx %arg11[%get3A_291] : memref<100000xf32, #tpu.memory_space<vmem>>[vector<16xi32>], vector<16xf32>,
      %gather3A_295 = tpu.vector_load_idx %arg11[%get3A_293] : memref<100000xf32, #tpu.memory_space<vmem>>[vector<16xi32>], vector<16xf32>,
      %sub3A_296 = arith.subf %gather3A_294, %gather3A_295 : vector<16xf32>
      %swap3A_297 = arith.index_cast %scan3A_232 : i32 to index
      %swap3A_298 = arith.constant 64 : index
      %swap3A_299 = tpu.vector_load %arg12[%swap3A_297, %swap3A_298] {strides = array<i32>} : memref<16x128xf32, #tpu.memory_space<vmem>>, vector<16xf32>,
      tpu.vector_store %arg12[%swap3A_297, %swap3A_298], %sub3A_296 {strides = array<i32>} : memref<16x128xf32, #tpu.memory_space<vmem>>, vector<16xf32>,
      %mul3A_300 = arith.constant 128 : i32
      %mul3A_301 = arith.muli %scan3A_232, %mul3A_300 : i32
      %add3A_302 = arith.constant 80 : i32
      %add3A_303 = arith.addi %mul3A_301, %add3A_302 : i32
      %get3A_304 = arith.index_cast %add3A_303 : i32 to index
      %get3A_305 = tpu.vector_load %arg7[%get3A_304] {strides = array<i32>} : memref<2048xi32, #tpu.memory_space<vmem>>, vector<16xi32>,
      %get3A_306 = arith.index_cast %add3A_303 : i32 to index
      %get3A_307 = tpu.vector_load %arg10[%get3A_306] {strides = array<i32>} : memref<2048xi32, #tpu.memory_space<vmem>>, vector<16xi32>,
      %gather3A_308 = tpu.vector_load_idx %arg11[%get3A_305] : memref<100000xf32, #tpu.memory_space<vmem>>[vector<16xi32>], vector<16xf32>,
      %gather3A_309 = tpu.vector_load_idx %arg11[%get3A_307] : memref<100000xf32, #tpu.memory_space<vmem>>[vector<16xi32>], vector<16xf32>,
      %sub3A_310 = arith.subf %gather3A_308, %gather3A_309 : vector<16xf32>
      %swap3A_311 = arith.index_cast %scan3A_232 : i32 to index
      %swap3A_312 = arith.constant 80 : index
      %swap3A_313 = tpu.vector_load %arg12[%swap3A_311, %swap3A_312] {strides = array<i32>} : memref<16x128xf32, #tpu.memory_space<vmem>>, vector<16xf32>,
      tpu.vector_store %arg12[%swap3A_311, %swap3A_312], %sub3A_310 {strides = array<i32>} : memref<16x128xf32, #tpu.memory_space<vmem>>, vector<16xf32>,
      %mul3A_314 = arith.constant 128 : i32
      %mul3A_315 = arith.muli %scan3A_232, %mul3A_314 : i32
      %add3A_316 = arith.constant 96 : i32
      %add3A_317 = arith.addi %mul3A_315, %add3A_316 : i32
      %get3A_318 = arith.index_cast %add3A_317 : i32 to index
      %get3A_319 = tpu.vector_load %arg7[%get3A_318] {strides = array<i32>} : memref<2048xi32, #tpu.memory_space<vmem>>, vector<16xi32>,
      %get3A_320 = arith.index_cast %add3A_317 : i32 to index
      %get3A_321 = tpu.vector_load %arg10[%get3A_320] {strides = array<i32>} : memref<2048xi32, #tpu.memory_space<vmem>>, vector<16xi32>,
      %gather3A_322 = tpu.vector_load_idx %arg11[%get3A_319] : memref<100000xf32, #tpu.memory_space<vmem>>[vector<16xi32>], vector<16xf32>,
      %gather3A_323 = tpu.vector_load_idx %arg11[%get3A_321] : memref<100000xf32, #tpu.memory_space<vmem>>[vector<16xi32>], vector<16xf32>,
      %sub3A_324 = arith.subf %gather3A_322, %gather3A_323 : vector<16xf32>
      %swap3A_325 = arith.index_cast %scan3A_232 : i32 to index
      %swap3A_326 = arith.constant 96 : index
      %swap3A_327 = tpu.vector_load %arg12[%swap3A_325, %swap3A_326] {strides = array<i32>} : memref<16x128xf32, #tpu.memory_space<vmem>>, vector<16xf32>,
      tpu.vector_store %arg12[%swap3A_325, %swap3A_326], %sub3A_324 {strides = array<i32>} : memref<16x128xf32, #tpu.memory_space<vmem>>, vector<16xf32>,
      %mul3A_328 = arith.constant 128 : i32
      %mul3A_329 = arith.muli %scan3A_232, %mul3A_328 : i32
      %add3A_330 = arith.constant 112 : i32
      %add3A_331 = arith.addi %mul3A_329, %add3A_330 : i32
      %get3A_332 = arith.index_cast %add3A_331 : i32 to index
      %get3A_333 = tpu.vector_load %arg7[%get3A_332] {strides = array<i32>} : memref<2048xi32, #tpu.memory_space<vmem>>, vector<16xi32>,
      %get3A_334 = arith.index_cast %add3A_331 : i32 to index
      %get3A_335 = tpu.vector_load %arg10[%get3A_334] {strides = array<i32>} : memref<2048xi32, #tpu.memory_space<vmem>>, vector<16xi32>,
      %gather3A_336 = tpu.vector_load_idx %arg11[%get3A_333] : memref<100000xf32, #tpu.memory_space<vmem>>[vector<16xi32>], vector<16xf32>,
      %gather3A_337 = tpu.vector_load_idx %arg11[%get3A_335] : memref<100000xf32, #tpu.memory_space<vmem>>[vector<16xi32>], vector<16xf32>,
      %sub3A_338 = arith.subf %gather3A_336, %gather3A_337 : vector<16xf32>
      %swap3A_339 = arith.index_cast %scan3A_232 : i32 to index
      %swap3A_340 = arith.constant 112 : index
      %swap3A_341 = tpu.vector_load %arg12[%swap3A_339, %swap3A_340] {strides = array<i32>} : memref<16x128xf32, #tpu.memory_space<vmem>>, vector<16xf32>,
      tpu.vector_store %arg12[%swap3A_339, %swap3A_340], %sub3A_338 {strides = array<i32>} : memref<16x128xf32, #tpu.memory_space<vmem>>, vector<16xf32>,
      %scan3A_342 = arith.constant 0 : i32
      scf.yield %scan3A_342 : i32
    }
    %scan3A_212 = arith.constant 16 : i32
    "tpu.region"() ({
      %run_scoped3A = tpu.sem_alloc : memref<!tpu.dma_semaphore, #tpu.memory_space<semaphore_mem>>
      %dma_start3A_232 = arith.constant 0 : i32
      %dma_start3A_233 = tpu.memref_slice %arg3[%add3A_205, %dma_start3A_232] : memref<64x100000xf32, #tpu.memory_space<hbm>> -> memref<1x100000xf32, #tpu.memory_space<hbm>>
      %dma_start3A_234 = tpu.memref_squeeze %dma_start3A_233 : memref<1x100000xf32, #tpu.memory_space<hbm>> -> memref<100000xf32, #tpu.memory_space<hbm>>
      %dma_start3A_235 = arith.constant 0 : i32
      %dma_start3A_236 = tpu.memref_slice %arg3[%add3A_205, %dma_start3A_235] : memref<64x100000xf32, #tpu.memory_space<hbm>> -> memref<1x100000xf32, #tpu.memory_space<hbm>>
      %dma_start3A_237 = tpu.memref_squeeze %dma_start3A_236 : memref<1x100000xf32, #tpu.memory_space<hbm>> -> memref<100000xf32, #tpu.memory_space<hbm>>
      tpu.enqueue_dma source(%dma_start3A_237 : memref<100000xf32, #tpu.memory_space<hbm>>) target(%arg11 : memref<100000xf32, #tpu.memory_space<vmem>>) target_semaphore(%run_scoped3A : memref<!tpu.dma_semaphore, #tpu.memory_space<semaphore_mem>>)
      %dma_wait3A_238 = arith.constant 0 : i32
      %dma_wait3A_239 = tpu.memref_slice %arg3[%add3A_205, %dma_wait3A_238] : memref<64x100000xf32, #tpu.memory_space<hbm>> -> memref<1x100000xf32, #tpu.memory_space<hbm>>
      %dma_wait3A_240 = tpu.memref_squeeze %dma_wait3A_239 : memref<1x100000xf32, #tpu.memory_space<hbm>> -> memref<100000xf32, #tpu.memory_space<hbm>>
      %dma_wait3A_241 = arith.constant 0 : i32
      %dma_wait3A_242 = tpu.memref_slice %arg3[%add3A_205, %dma_wait3A_241] : memref<64x100000xf32, #tpu.memory_space<hbm>> -> memref<1x100000xf32, #tpu.memory_space<hbm>>
      %dma_wait3A_243 = tpu.memref_squeeze %dma_wait3A_242 : memref<1x100000xf32, #tpu.memory_space<hbm>> -> memref<100000xf32, #tpu.memory_space<hbm>>
      tpu.wait_dma2 semaphore(%run_scoped3A : memref<!tpu.dma_semaphore, #tpu.memory_space<semaphore_mem>>) src(%dma_wait3A_243 : memref<100000xf32, #tpu.memory_space<hbm>>) dst(%arg11 : memref<100000xf32, #tpu.memory_space<vmem>>)
      tpu.yield
    }) : () -> ()
    %scan3A_213 = arith.constant 0 : i32
    %scan3A_214 = arith.constant 0 : i32
    %scan3A_215 = arith.constant 16 : i32
    %scan3A_216 = arith.addi %scan3A_214, %scan3A_215 : i32
    %scan3A_217 = arith.constant 1 : i32
    %scan3A_218 = scf.for %scan3A_232 = %scan3A_214 to %scan3A_216 step %scan3A_217 iter_args(%scan3A_233 = %scan3A_213) -> (i32)  : i32 {
      %mul3A_234 = arith.constant 128 : i32
      %mul3A_235 = arith.muli %scan3A_232, %mul3A_234 : i32
      %add3A_236 = arith.constant 0 : i32
      %add3A_237 = arith.addi %mul3A_235, %add3A_236 : i32
      %get3A = arith.index_cast %add3A_237 : i32 to index
      %get3A_238 = tpu.vector_load %arg8[%get3A] {strides = array<i32>} : memref<2048xi32, #tpu.memory_space<vmem>>, vector<16xi32>,
      %get3A_239 = arith.index_cast %add3A_237 : i32 to index
      %get3A_240 = tpu.vector_load %arg9[%get3A_239] {strides = array<i32>} : memref<2048xi32, #tpu.memory_space<vmem>>, vector<16xi32>,
      %gather3A = tpu.vector_load_idx %arg11[%get3A_238] : memref<100000xf32, #tpu.memory_space<vmem>>[vector<16xi32>], vector<16xf32>,
      %gather3A_241 = tpu.vector_load_idx %arg11[%get3A_240] : memref<100000xf32, #tpu.memory_space<vmem>>[vector<16xi32>], vector<16xf32>,
      %get3A_242 = arith.index_cast %scan3A_232 : i32 to index
      %get3A_243 = arith.constant 0 : index
      %get3A_244 = tpu.vector_load %arg12[%get3A_242, %get3A_243] {strides = array<i32>} : memref<16x128xf32, #tpu.memory_space<vmem>>, vector<16xf32>,
      %add3A_245 = arith.addf %get3A_244, %gather3A : vector<16xf32>
      %add3A_246 = arith.addf %add3A_245, %gather3A_241 : vector<16xf32>
      %get3A_247 = arith.index_cast %scan3A_232 : i32 to index
      %get3A_248 = arith.constant 0 : index
      %get3A_249 = tpu.vector_load %arg13[%get3A_247, %get3A_248] {strides = array<i32>} : memref<16x128xf32, #tpu.memory_space<vmem>>, vector<16xf32>,
      %mul3A_250 = arith.mulf %add3A_246, %add3A_246 : vector<16xf32>
      %add3A_251 = arith.addf %get3A_249, %mul3A_250 : vector<16xf32>
      %swap3A = arith.index_cast %scan3A_232 : i32 to index
      %swap3A_252 = arith.constant 0 : index
      %swap3A_253 = tpu.vector_load %arg13[%swap3A, %swap3A_252] {strides = array<i32>} : memref<16x128xf32, #tpu.memory_space<vmem>>, vector<16xf32>,
      tpu.vector_store %arg13[%swap3A, %swap3A_252], %add3A_251 {strides = array<i32>} : memref<16x128xf32, #tpu.memory_space<vmem>>, vector<16xf32>,
      %mul3A_254 = arith.constant 128 : i32
      %mul3A_255 = arith.muli %scan3A_232, %mul3A_254 : i32
      %add3A_256 = arith.constant 16 : i32
      %add3A_257 = arith.addi %mul3A_255, %add3A_256 : i32
      %get3A_258 = arith.index_cast %add3A_257 : i32 to index
      %get3A_259 = tpu.vector_load %arg8[%get3A_258] {strides = array<i32>} : memref<2048xi32, #tpu.memory_space<vmem>>, vector<16xi32>,
      %get3A_260 = arith.index_cast %add3A_257 : i32 to index
      %get3A_261 = tpu.vector_load %arg9[%get3A_260] {strides = array<i32>} : memref<2048xi32, #tpu.memory_space<vmem>>, vector<16xi32>,
      %gather3A_262 = tpu.vector_load_idx %arg11[%get3A_259] : memref<100000xf32, #tpu.memory_space<vmem>>[vector<16xi32>], vector<16xf32>,
      %gather3A_263 = tpu.vector_load_idx %arg11[%get3A_261] : memref<100000xf32, #tpu.memory_space<vmem>>[vector<16xi32>], vector<16xf32>,
      %get3A_264 = arith.index_cast %scan3A_232 : i32 to index
      %get3A_265 = arith.constant 16 : index
      %get3A_266 = tpu.vector_load %arg12[%get3A_264, %get3A_265] {strides = array<i32>} : memref<16x128xf32, #tpu.memory_space<vmem>>, vector<16xf32>,
      %add3A_267 = arith.addf %get3A_266, %gather3A_262 : vector<16xf32>
      %add3A_268 = arith.addf %add3A_267, %gather3A_263 : vector<16xf32>
      %get3A_269 = arith.index_cast %scan3A_232 : i32 to index
      %get3A_270 = arith.constant 16 : index
      %get3A_271 = tpu.vector_load %arg13[%get3A_269, %get3A_270] {strides = array<i32>} : memref<16x128xf32, #tpu.memory_space<vmem>>, vector<16xf32>,
      %mul3A_272 = arith.mulf %add3A_268, %add3A_268 : vector<16xf32>
      %add3A_273 = arith.addf %get3A_271, %mul3A_272 : vector<16xf32>
      %swap3A_274 = arith.index_cast %scan3A_232 : i32 to index
      %swap3A_275 = arith.constant 16 : index
      %swap3A_276 = tpu.vector_load %arg13[%swap3A_274, %swap3A_275] {strides = array<i32>} : memref<16x128xf32, #tpu.memory_space<vmem>>, vector<16xf32>,
      tpu.vector_store %arg13[%swap3A_274, %swap3A_275], %add3A_273 {strides = array<i32>} : memref<16x128xf32, #tpu.memory_space<vmem>>, vector<16xf32>,
      %mul3A_277 = arith.constant 128 : i32
      %mul3A_278 = arith.muli %scan3A_232, %mul3A_277 : i32
      %add3A_279 = arith.constant 32 : i32
      %add3A_280 = arith.addi %mul3A_278, %add3A_279 : i32
      %get3A_281 = arith.index_cast %add3A_280 : i32 to index
      %get3A_282 = tpu.vector_load %arg8[%get3A_281] {strides = array<i32>} : memref<2048xi32, #tpu.memory_space<vmem>>, vector<16xi32>,
      %get3A_283 = arith.index_cast %add3A_280 : i32 to index
      %get3A_284 = tpu.vector_load %arg9[%get3A_283] {strides = array<i32>} : memref<2048xi32, #tpu.memory_space<vmem>>, vector<16xi32>,
      %gather3A_285 = tpu.vector_load_idx %arg11[%get3A_282] : memref<100000xf32, #tpu.memory_space<vmem>>[vector<16xi32>], vector<16xf32>,
      %gather3A_286 = tpu.vector_load_idx %arg11[%get3A_284] : memref<100000xf32, #tpu.memory_space<vmem>>[vector<16xi32>], vector<16xf32>,
      %get3A_287 = arith.index_cast %scan3A_232 : i32 to index
      %get3A_288 = arith.constant 32 : index
      %get3A_289 = tpu.vector_load %arg12[%get3A_287, %get3A_288] {strides = array<i32>} : memref<16x128xf32, #tpu.memory_space<vmem>>, vector<16xf32>,
      %add3A_290 = arith.addf %get3A_289, %gather3A_285 : vector<16xf32>
      %add3A_291 = arith.addf %add3A_290, %gather3A_286 : vector<16xf32>
      %get3A_292 = arith.index_cast %scan3A_232 : i32 to index
      %get3A_293 = arith.constant 32 : index
      %get3A_294 = tpu.vector_load %arg13[%get3A_292, %get3A_293] {strides = array<i32>} : memref<16x128xf32, #tpu.memory_space<vmem>>, vector<16xf32>,
      %mul3A_295 = arith.mulf %add3A_291, %add3A_291 : vector<16xf32>
      %add3A_296 = arith.addf %get3A_294, %mul3A_295 : vector<16xf32>
      %swap3A_297 = arith.index_cast %scan3A_232 : i32 to index
      %swap3A_298 = arith.constant 32 : index
      %swap3A_299 = tpu.vector_load %arg13[%swap3A_297, %swap3A_298] {strides = array<i32>} : memref<16x128xf32, #tpu.memory_space<vmem>>, vector<16xf32>,
      tpu.vector_store %arg13[%swap3A_297, %swap3A_298], %add3A_296 {strides = array<i32>} : memref<16x128xf32, #tpu.memory_space<vmem>>, vector<16xf32>,
      %mul3A_300 = arith.constant 128 : i32
      %mul3A_301 = arith.muli %scan3A_232, %mul3A_300 : i32
      %add3A_302 = arith.constant 48 : i32
      %add3A_303 = arith.addi %mul3A_301, %add3A_302 : i32
      %get3A_304 = arith.index_cast %add3A_303 : i32 to index
      %get3A_305 = tpu.vector_load %arg8[%get3A_304] {strides = array<i32>} : memref<2048xi32, #tpu.memory_space<vmem>>, vector<16xi32>,
      %get3A_306 = arith.index_cast %add3A_303 : i32 to index
      %get3A_307 = tpu.vector_load %arg9[%get3A_306] {strides = array<i32>} : memref<2048xi32, #tpu.memory_space<vmem>>, vector<16xi32>,
      %gather3A_308 = tpu.vector_load_idx %arg11[%get3A_305] : memref<100000xf32, #tpu.memory_space<vmem>>[vector<16xi32>], vector<16xf32>,
      %gather3A_309 = tpu.vector_load_idx %arg11[%get3A_307] : memref<100000xf32, #tpu.memory_space<vmem>>[vector<16xi32>], vector<16xf32>,
      %get3A_310 = arith.index_cast %scan3A_232 : i32 to index
      %get3A_311 = arith.constant 48 : index
      %get3A_312 = tpu.vector_load %arg12[%get3A_310, %get3A_311] {strides = array<i32>} : memref<16x128xf32, #tpu.memory_space<vmem>>, vector<16xf32>,
      %add3A_313 = arith.addf %get3A_312, %gather3A_308 : vector<16xf32>
      %add3A_314 = arith.addf %add3A_313, %gather3A_309 : vector<16xf32>
      %get3A_315 = arith.index_cast %scan3A_232 : i32 to index
      %get3A_316 = arith.constant 48 : index
      %get3A_317 = tpu.vector_load %arg13[%get3A_315, %get3A_316] {strides = array<i32>} : memref<16x128xf32, #tpu.memory_space<vmem>>, vector<16xf32>,
      %mul3A_318 = arith.mulf %add3A_314, %add3A_314 : vector<16xf32>
      %add3A_319 = arith.addf %get3A_317, %mul3A_318 : vector<16xf32>
      %swap3A_320 = arith.index_cast %scan3A_232 : i32 to index
      %swap3A_321 = arith.constant 48 : index
      %swap3A_322 = tpu.vector_load %arg13[%swap3A_320, %swap3A_321] {strides = array<i32>} : memref<16x128xf32, #tpu.memory_space<vmem>>, vector<16xf32>,
      tpu.vector_store %arg13[%swap3A_320, %swap3A_321], %add3A_319 {strides = array<i32>} : memref<16x128xf32, #tpu.memory_space<vmem>>, vector<16xf32>,
      %mul3A_323 = arith.constant 128 : i32
      %mul3A_324 = arith.muli %scan3A_232, %mul3A_323 : i32
      %add3A_325 = arith.constant 64 : i32
      %add3A_326 = arith.addi %mul3A_324, %add3A_325 : i32
      %get3A_327 = arith.index_cast %add3A_326 : i32 to index
      %get3A_328 = tpu.vector_load %arg8[%get3A_327] {strides = array<i32>} : memref<2048xi32, #tpu.memory_space<vmem>>, vector<16xi32>,
      %get3A_329 = arith.index_cast %add3A_326 : i32 to index
      %get3A_330 = tpu.vector_load %arg9[%get3A_329] {strides = array<i32>} : memref<2048xi32, #tpu.memory_space<vmem>>, vector<16xi32>,
      %gather3A_331 = tpu.vector_load_idx %arg11[%get3A_328] : memref<100000xf32, #tpu.memory_space<vmem>>[vector<16xi32>], vector<16xf32>,
      %gather3A_332 = tpu.vector_load_idx %arg11[%get3A_330] : memref<100000xf32, #tpu.memory_space<vmem>>[vector<16xi32>], vector<16xf32>,
      %get3A_333 = arith.index_cast %scan3A_232 : i32 to index
      %get3A_334 = arith.constant 64 : index
      %get3A_335 = tpu.vector_load %arg12[%get3A_333, %get3A_334] {strides = array<i32>} : memref<16x128xf32, #tpu.memory_space<vmem>>, vector<16xf32>,
      %add3A_336 = arith.addf %get3A_335, %gather3A_331 : vector<16xf32>
      %add3A_337 = arith.addf %add3A_336, %gather3A_332 : vector<16xf32>
      %get3A_338 = arith.index_cast %scan3A_232 : i32 to index
      %get3A_339 = arith.constant 64 : index
      %get3A_340 = tpu.vector_load %arg13[%get3A_338, %get3A_339] {strides = array<i32>} : memref<16x128xf32, #tpu.memory_space<vmem>>, vector<16xf32>,
      %mul3A_341 = arith.mulf %add3A_337, %add3A_337 : vector<16xf32>
      %add3A_342 = arith.addf %get3A_340, %mul3A_341 : vector<16xf32>
      %swap3A_343 = arith.index_cast %scan3A_232 : i32 to index
      %swap3A_344 = arith.constant 64 : index
      %swap3A_345 = tpu.vector_load %arg13[%swap3A_343, %swap3A_344] {strides = array<i32>} : memref<16x128xf32, #tpu.memory_space<vmem>>, vector<16xf32>,
      tpu.vector_store %arg13[%swap3A_343, %swap3A_344], %add3A_342 {strides = array<i32>} : memref<16x128xf32, #tpu.memory_space<vmem>>, vector<16xf32>,
      %mul3A_346 = arith.constant 128 : i32
      %mul3A_347 = arith.muli %scan3A_232, %mul3A_346 : i32
      %add3A_348 = arith.constant 80 : i32
      %add3A_349 = arith.addi %mul3A_347, %add3A_348 : i32
      %get3A_350 = arith.index_cast %add3A_349 : i32 to index
      %get3A_351 = tpu.vector_load %arg8[%get3A_350] {strides = array<i32>} : memref<2048xi32, #tpu.memory_space<vmem>>, vector<16xi32>,
      %get3A_352 = arith.index_cast %add3A_349 : i32 to index
      %get3A_353 = tpu.vector_load %arg9[%get3A_352] {strides = array<i32>} : memref<2048xi32, #tpu.memory_space<vmem>>, vector<16xi32>,
      %gather3A_354 = tpu.vector_load_idx %arg11[%get3A_351] : memref<100000xf32, #tpu.memory_space<vmem>>[vector<16xi32>], vector<16xf32>,
      %gather3A_355 = tpu.vector_load_idx %arg11[%get3A_353] : memref<100000xf32, #tpu.memory_space<vmem>>[vector<16xi32>], vector<16xf32>,
      %get3A_356 = arith.index_cast %scan3A_232 : i32 to index
      %get3A_357 = arith.constant 80 : index
      %get3A_358 = tpu.vector_load %arg12[%get3A_356, %get3A_357] {strides = array<i32>} : memref<16x128xf32, #tpu.memory_space<vmem>>, vector<16xf32>,
      %add3A_359 = arith.addf %get3A_358, %gather3A_354 : vector<16xf32>
      %add3A_360 = arith.addf %add3A_359, %gather3A_355 : vector<16xf32>
      %get3A_361 = arith.index_cast %scan3A_232 : i32 to index
      %get3A_362 = arith.constant 80 : index
      %get3A_363 = tpu.vector_load %arg13[%get3A_361, %get3A_362] {strides = array<i32>} : memref<16x128xf32, #tpu.memory_space<vmem>>, vector<16xf32>,
      %mul3A_364 = arith.mulf %add3A_360, %add3A_360 : vector<16xf32>
      %add3A_365 = arith.addf %get3A_363, %mul3A_364 : vector<16xf32>
      %swap3A_366 = arith.index_cast %scan3A_232 : i32 to index
      %swap3A_367 = arith.constant 80 : index
      %swap3A_368 = tpu.vector_load %arg13[%swap3A_366, %swap3A_367] {strides = array<i32>} : memref<16x128xf32, #tpu.memory_space<vmem>>, vector<16xf32>,
      tpu.vector_store %arg13[%swap3A_366, %swap3A_367], %add3A_365 {strides = array<i32>} : memref<16x128xf32, #tpu.memory_space<vmem>>, vector<16xf32>,
      %mul3A_369 = arith.constant 128 : i32
      %mul3A_370 = arith.muli %scan3A_232, %mul3A_369 : i32
      %add3A_371 = arith.constant 96 : i32
      %add3A_372 = arith.addi %mul3A_370, %add3A_371 : i32
      %get3A_373 = arith.index_cast %add3A_372 : i32 to index
      %get3A_374 = tpu.vector_load %arg8[%get3A_373] {strides = array<i32>} : memref<2048xi32, #tpu.memory_space<vmem>>, vector<16xi32>,
      %get3A_375 = arith.index_cast %add3A_372 : i32 to index
      %get3A_376 = tpu.vector_load %arg9[%get3A_375] {strides = array<i32>} : memref<2048xi32, #tpu.memory_space<vmem>>, vector<16xi32>,
      %gather3A_377 = tpu.vector_load_idx %arg11[%get3A_374] : memref<100000xf32, #tpu.memory_space<vmem>>[vector<16xi32>], vector<16xf32>,
      %gather3A_378 = tpu.vector_load_idx %arg11[%get3A_376] : memref<100000xf32, #tpu.memory_space<vmem>>[vector<16xi32>], vector<16xf32>,
      %get3A_379 = arith.index_cast %scan3A_232 : i32 to index
      %get3A_380 = arith.constant 96 : index
      %get3A_381 = tpu.vector_load %arg12[%get3A_379, %get3A_380] {strides = array<i32>} : memref<16x128xf32, #tpu.memory_space<vmem>>, vector<16xf32>,
      %add3A_382 = arith.addf %get3A_381, %gather3A_377 : vector<16xf32>
      %add3A_383 = arith.addf %add3A_382, %gather3A_378 : vector<16xf32>
      %get3A_384 = arith.index_cast %scan3A_232 : i32 to index
      %get3A_385 = arith.constant 96 : index
      %get3A_386 = tpu.vector_load %arg13[%get3A_384, %get3A_385] {strides = array<i32>} : memref<16x128xf32, #tpu.memory_space<vmem>>, vector<16xf32>,
      %mul3A_387 = arith.mulf %add3A_383, %add3A_383 : vector<16xf32>
      %add3A_388 = arith.addf %get3A_386, %mul3A_387 : vector<16xf32>
      %swap3A_389 = arith.index_cast %scan3A_232 : i32 to index
      %swap3A_390 = arith.constant 96 : index
      %swap3A_391 = tpu.vector_load %arg13[%swap3A_389, %swap3A_390] {strides = array<i32>} : memref<16x128xf32, #tpu.memory_space<vmem>>, vector<16xf32>,
      tpu.vector_store %arg13[%swap3A_389, %swap3A_390], %add3A_388 {strides = array<i32>} : memref<16x128xf32, #tpu.memory_space<vmem>>, vector<16xf32>,
      %mul3A_392 = arith.constant 128 : i32
      %mul3A_393 = arith.muli %scan3A_232, %mul3A_392 : i32
      %add3A_394 = arith.constant 112 : i32
      %add3A_395 = arith.addi %mul3A_393, %add3A_394 : i32
      %get3A_396 = arith.index_cast %add3A_395 : i32 to index
      %get3A_397 = tpu.vector_load %arg8[%get3A_396] {strides = array<i32>} : memref<2048xi32, #tpu.memory_space<vmem>>, vector<16xi32>,
      %get3A_398 = arith.index_cast %add3A_395 : i32 to index
      %get3A_399 = tpu.vector_load %arg9[%get3A_398] {strides = array<i32>} : memref<2048xi32, #tpu.memory_space<vmem>>, vector<16xi32>,
      %gather3A_400 = tpu.vector_load_idx %arg11[%get3A_397] : memref<100000xf32, #tpu.memory_space<vmem>>[vector<16xi32>], vector<16xf32>,
      %gather3A_401 = tpu.vector_load_idx %arg11[%get3A_399] : memref<100000xf32, #tpu.memory_space<vmem>>[vector<16xi32>], vector<16xf32>,
      %get3A_402 = arith.index_cast %scan3A_232 : i32 to index
      %get3A_403 = arith.constant 112 : index
      %get3A_404 = tpu.vector_load %arg12[%get3A_402, %get3A_403] {strides = array<i32>} : memref<16x128xf32, #tpu.memory_space<vmem>>, vector<16xf32>,
      %add3A_405 = arith.addf %get3A_404, %gather3A_400 : vector<16xf32>
      %add3A_406 = arith.addf %add3A_405, %gather3A_401 : vector<16xf32>
      %get3A_407 = arith.index_cast %scan3A_232 : i32 to index
      %get3A_408 = arith.constant 112 : index
      %get3A_409 = tpu.vector_load %arg13[%get3A_407, %get3A_408] {strides = array<i32>} : memref<16x128xf32, #tpu.memory_space<vmem>>, vector<16xf32>,
      %mul3A_410 = arith.mulf %add3A_406, %add3A_406 : vector<16xf32>
      %add3A_411 = arith.addf %get3A_409, %mul3A_410 : vector<16xf32>
      %swap3A_412 = arith.index_cast %scan3A_232 : i32 to index
      %swap3A_413 = arith.constant 112 : index
      %swap3A_414 = tpu.vector_load %arg13[%swap3A_412, %swap3A_413] {strides = array<i32>} : memref<16x128xf32, #tpu.memory_space<vmem>>, vector<16xf32>,
      tpu.vector_store %arg13[%swap3A_412, %swap3A_413], %add3A_411 {strides = array<i32>} : memref<16x128xf32, #tpu.memory_space<vmem>>, vector<16xf32>,
      %scan3A_415 = arith.constant 0 : i32
      scf.yield %scan3A_415 : i32
    }
    %scan3A_219 = arith.constant 16 : i32
    %iota3A = tpu.iota {dimensions = array<i32: 0>} : vector<16xi32>
    %eq3A = arith.constant 0 : i32
    %eq3A_220 = arith.cmpi eq, %arg1, %eq3A : i32
    %convert_element_type3A = arith.extui %eq3A_220 : i1 to i32
    %cond3A = arith.constant 0 : i32
    %cond3A_221 = arith.cmpi ne, %convert_element_type3A, %cond3A : i32
    scf.if %cond3A_221 {
      "tpu.region"() ({
        %run_scoped3A = tpu.sem_alloc : memref<!tpu.dma_semaphore, #tpu.memory_space<semaphore_mem>>
        tpu.enqueue_dma source(%arg13 : memref<16x128xf32, #tpu.memory_space<vmem>>) target(%arg14 : memref<16x128xf32, #tpu.memory_space<vmem_shared>>) target_semaphore(%run_scoped3A : memref<!tpu.dma_semaphore, #tpu.memory_space<semaphore_mem>>)
        tpu.wait_dma2 semaphore(%run_scoped3A : memref<!tpu.dma_semaphore, #tpu.memory_space<semaphore_mem>>) src(%arg13 : memref<16x128xf32, #tpu.memory_space<vmem>>) dst(%arg14 : memref<16x128xf32, #tpu.memory_space<vmem_shared>>)
        tpu.yield
      }) : () -> ()
    } else {
    }
    %barrier3A = arith.constant 0 : index
    tpu.barrier barrier_id(%barrier3A)
    %ne3A = arith.constant 0 : i32
    %ne3A_222 = arith.cmpi ne, %arg1, %ne3A : i32
    %convert_element_type3A_223 = arith.extui %ne3A_222 : i1 to i32
    %cond3A_224 = arith.constant 0 : i32
    %cond3A_225 = arith.cmpi ne, %convert_element_type3A_223, %cond3A_224 : i32
    scf.if %cond3A_225 {
      "tpu.region"() ({
        %run_scoped3A = tpu.sem_alloc : memref<!tpu.dma_semaphore, #tpu.memory_space<semaphore_mem>>
        %dma_start3A_232 = arith.constant 0 : i32
        %dma_start3A_233 = arith.constant 0 : i32
        %dma_start3A_234 = tpu.memref_slice %arg14[%dma_start3A_232, %dma_start3A_233] : memref<16x128xf32, #tpu.memory_space<vmem_shared>> -> memref<16x128xf32, #tpu.memory_space<vmem_shared>>
        tpu.enqueue_indirect_dma source(%arg13 : memref<16x128xf32, #tpu.memory_space<vmem>>) target(%dma_start3A_234 : memref<16x128xf32, #tpu.memory_space<vmem_shared>>) offsets(%iota3A : vector<16xi32>) semaphore(%run_scoped3A : memref<!tpu.dma_semaphore, #tpu.memory_space<semaphore_mem>>) {add = true}
        %dma_wait3A_235 = arith.constant 0 : i32
        %dma_wait3A_236 = arith.constant 0 : i32
        %dma_wait3A_237 = tpu.memref_slice %arg14[%dma_wait3A_235, %dma_wait3A_236] : memref<16x128xf32, #tpu.memory_space<vmem_shared>> -> memref<16x128xf32, #tpu.memory_space<vmem_shared>>
        tpu.wait_indirect_dma semaphore(%run_scoped3A : memref<!tpu.dma_semaphore, #tpu.memory_space<semaphore_mem>>) src(%arg13 : memref<16x128xf32, #tpu.memory_space<vmem>>) dst(%dma_wait3A_237 : memref<16x128xf32, #tpu.memory_space<vmem_shared>>)
        tpu.yield
      }) : () -> ()
    } else {
    }
    %barrier3A_226 = arith.constant 0 : index
    tpu.barrier barrier_id(%barrier3A_226)
    %eq3A_227 = arith.constant 0 : i32
    %eq3A_228 = arith.cmpi eq, %arg1, %eq3A_227 : i32
    %convert_element_type3A_229 = arith.extui %eq3A_228 : i1 to i32
    %cond3A_230 = arith.constant 0 : i32
    %cond3A_231 = arith.cmpi ne, %convert_element_type3A_229, %cond3A_230 : i32
    scf.if %cond3A_231 {
      "tpu.region"() ({
        %run_scoped3A = tpu.sem_alloc : memref<!tpu.dma_semaphore, #tpu.memory_space<semaphore_mem>>
        %dma_start3A_232 = arith.constant 0 : i32
        %dma_start3A_233 = arith.constant 0 : i32
        %dma_start3A_234 = tpu.memref_slice %arg6[%arg0, %dma_start3A_232, %dma_start3A_233] : memref<2x16x128xf32, #tpu.memory_space<hbm>> -> memref<1x16x128xf32, #tpu.memory_space<hbm>>
        %dma_start3A_235 = tpu.memref_squeeze %dma_start3A_234 : memref<1x16x128xf32, #tpu.memory_space<hbm>> -> memref<16x128xf32, #tpu.memory_space<hbm>>
        tpu.enqueue_dma source(%arg14 : memref<16x128xf32, #tpu.memory_space<vmem_shared>>) target(%dma_start3A_235 : memref<16x128xf32, #tpu.memory_space<hbm>>) target_semaphore(%run_scoped3A : memref<!tpu.dma_semaphore, #tpu.memory_space<semaphore_mem>>)
        %dma_wait3A_236 = arith.constant 0 : i32
        %dma_wait3A_237 = arith.constant 0 : i32
        %dma_wait3A_238 = tpu.memref_slice %arg6[%arg0, %dma_wait3A_236, %dma_wait3A_237] : memref<2x16x128xf32, #tpu.memory_space<hbm>> -> memref<1x16x128xf32, #tpu.memory_space<hbm>>
        %dma_wait3A_239 = tpu.memref_squeeze %dma_wait3A_238 : memref<1x16x128xf32, #tpu.memory_space<hbm>> -> memref<16x128xf32, #tpu.memory_space<hbm>>
        tpu.wait_dma2 semaphore(%run_scoped3A : memref<!tpu.dma_semaphore, #tpu.memory_space<semaphore_mem>>) src(%arg14 : memref<16x128xf32, #tpu.memory_space<vmem_shared>>) dst(%dma_wait3A_239 : memref<16x128xf32, #tpu.memory_space<hbm>>)
        tpu.yield
      }) : () -> ()
    } else {
    }
    return
  }
}

</mosaic_0001>

<sc_bundles>
// kernel: _ttranse_scores.3.cloned.1.call-start
scs
__scs_entry_jumppad:
0x0: {  	(pc) =	sbr.rel $0x88, $3  }
0x1: {  	(tag) =	ssettag $0x0;
	lr =	simm.s32 $0x1  }
0x2: {  	[smem:$0x3F9D] =	sst lr;
	_ =	strace $0xD0000000  }
0x3: {  	_ = 	snop  }
0x4: {  	_ = 	snop  }
0x5: {  	_ = 	snop  }
0x6: {  	_ = 	snop  }
0x7: {  	_ = 	snop  }
__scs_overlays_trampoline_lowered:
0x8: {  	[smem:$0x3FAC] =	sst s0  }
0x9: {  	[smem:$0x3FAD] =	sst s1  }
0xa: {  	[smem:$0x3FAE] =	sst s2  }
0xb: {  	[smem:$0x3FAF] =	sst s3  }
0xc: {  	[smem:$0x3FB0] =	sst s4  }
0xd: {  	[smem:$0x3FB1] =	sst s5  }
0xe: {  	[smem:$0x3FB2] =	sst s6  }
0xf: {  	[smem:$0x3FB3] =	sst s7  }
0x10: {  	[smem:$0x3FB4] =	sst s8  }
0x11: {  	[smem:$0x3FB5] =	sst s9;
	s0 =	simm.s32 @!p0 $0x0  }
0x12: {  	s1 =	sld [smem:$0x3F9B];
	s0 =	simm.s32 @p0 $0x1  }
0x13: {  	[smem:$0x3FB6] =	sst s0;
	s0 =	simm.s32 @!p1 $0x0  }
0x14: {  	s2 =	sld [smem:$0x3F9A];
	s0 =	simm.s32 @p1 $0x1  }
0x15: {  	[smem:$0x3FB7] =	sst s0;
	s0 =	simm.s32 @!p2 $0x0  }
0x16: {  	s3 =	sld [smem:$0x3FDB];
	s0 =	simm.s32 @p2 $0x1  }
0x17: {  	s4 =	simm.s32 $0x1BF5;
	[smem:$0x3FB9] =	sst s0  }
0x18: {  	s0 =	sld [smem:$0x3F9C];
	_ =	swait.ge [sflag:s4], $0x0  }
0x19: {  	s7 =	sld [smem:$0x3F9D]  }
0x1a: {  	s8 =	sadd.s32 $0xFFFFE003, lr  }
0x1b: {  	s9 =	sadd.s32 $0xFFFFFEF7, lr;
	s5 =	simm.s32 $0xFFFFFFFF;
	p2 =	slt.u32 s8, $0xFFFFF086  }
0x1c: {  	p1 =	slt.u32 s9, $0xF7A;
	s5 =	simm.s32 @!p2 $0x0  }
0x1d: {  	s5 =	simm.s32 @p1 $0x1;
	p0 =	seq.s32 s7, s2  }
0x1e: {  	s7 =	smul.u32 @!p0 $0xF7A, s2;
	p2 =	seq.s32 @!p0 s5, $0x0  }
0x1f: {  	s9 =	smul.u32 $0xF7A, s1;
	s8 =	simm.s32 @!p0 $0x1BF5;
	p2 =	por !p2, p0  }
0x20: {  	[sflag:s8] =	ssyncset.s32 @!p0 $0xFFFFF086;
	s6 =	sadd.s32 @!p0 s3, s7;
	s7 =	simm.s32 @!p0 $0x108  }
0x21: {  	s3 =	sadd.s32 s3, s9;
	s6 =	sadd.s32 @!p0 $0x88, s6;
	s7 =	simm.s32 @p2 $0x1082  }
0x22: {  	[simem:s7], [sflag:s8] =	dma.local @!p0 [hbm:s6], $0xF7A  }
0x23: {  	s9 =	sor.u32 $0xD0000000, s2;
	s6 =	simm.s32 $0x108;
	_ =	swait.ge @!p0 [sflag:s8], $0x0  }
0x24: {  	s3 =	sadd.s32 $0x88, s3;
	s6 =	simm.s32 @!p1 $0x1082;
	[sflag:s4] =	ssyncset.s32 $0xFFFFF086  }
0x25: {  	[simem:s6], [sflag:s4] =	dma.local [hbm:s3], $0xF7A  }
0x26: {  	[smem:$0x3F9D] =	sst s1;
	(tag) =	ssettag s2;
	_ =	strace s9  }
0x27: {  	s1 =	sld [smem:$0x3FAD]  }
0x28: {  	s2 =	sld [smem:$0x3FAE]  }
0x29: {  	s4 =	sld [smem:$0x3FB0]  }
0x2a: {  	p0 =	seq.s32 s5, $0x0;
	s5 =	sld [smem:$0x3FB1]  }
0x2b: {  	s6 =	sld [smem:$0x3FB2]  }
0x2c: {  	s7 =	sld [smem:$0x3FB3]  }
0x2d: {  	s3 =	simm.s32 $0x108;
	s8 =	sld [smem:$0x3FB4]  }
0x2e: {  	s3 =	simm.s32 @!p0 $0x1082;
	s9 =	sld [smem:$0x3FB5]  }
0x2f: {  	lr =	sadd.s32 s0, s3;
	s0 =	sld [smem:$0x3FAC]  }
0x30: {  	s3 =	sld [smem:$0x3FAF]  }
0x31: {  	[smem:$0x3FB8] =	sst s10  }
0x32: {  	s10 =	sld [smem:$0x3FB6];
	_ =	sdelay $0x3  }
0x33: {  	p0 =	seq.s32 s10, $0x1;
	s10 =	sld [smem:$0x3FB8];
	_ =	sdelay $0x3  }
0x34: {  	[smem:$0x3FB8] =	sst s10  }
0x35: {  	s10 =	sld [smem:$0x3FB7];
	_ =	sdelay $0x3  }
0x36: {  	p1 =	seq.s32 s10, $0x1;
	s10 =	sld [smem:$0x3FB8];
	_ =	sdelay $0x3  }
0x37: {  	[smem:$0x3FB8] =	sst s10  }
0x38: {  	s10 =	sld [smem:$0x3FB9]  }
0x39: {  	_ = 	snop;
	(pc) =	sbr.ind lr, $3  }
0x3a: {  	_ = 	snop  }
0x3b: {  	_ = 	snop  }
0x3c: {  	p2 =	seq.s32 s10, $0x1;
	s10 =	sld [smem:$0x3FB8]  }
0x3d: {  	_ =	shalt  }
0x3e: {  	_ =	shalt  }
0x3f: {  	_ =	shalt  }
0x40: {  	_ =	shalt  }
0x41: {  	_ =	shalt  }
0x42: {  	_ =	shalt  }
0x43: {  	_ =	shalt  }
0x44: {  	_ =	shalt  }
0x45: {  	_ =	shalt  }
0x46: {  	_ =	shalt  }
0x47: {  	_ =	shalt  }
0x48: {  	_ =	shalt  }
0x49: {  	_ =	shalt  }
0x4a: {  	_ =	shalt  }
0x4b: {  	_ =	shalt  }
0x4c: {  	_ =	shalt  }
0x4d: {  	_ =	shalt  }
0x4e: {  	_ =	shalt  }
0x4f: {  	_ =	shalt  }
0x50: {  	_ =	shalt  }
0x51: {  	_ =	shalt  }
0x52: {  	_ =	shalt  }
0x53: {  	_ =	shalt  }
0x54: {  	_ =	shalt  }
0x55: {  	_ =	shalt  }
0x56: {  	_ =	shalt  }
0x57: {  	_ =	shalt  }
0x58: {  	_ =	shalt  }
0x59: {  	_ =	shalt  }
0x5a: {  	_ =	shalt  }
0x5b: {  	_ =	shalt  }
0x5c: {  	_ =	shalt  }
0x5d: {  	_ =	shalt  }
0x5e: {  	_ =	shalt  }
0x5f: {  	_ =	shalt  }
0x60: {  	_ =	shalt  }
0x61: {  	_ =	shalt  }
0x62: {  	_ =	shalt  }
0x63: {  	_ =	shalt  }
0x64: {  	_ =	shalt  }
0x65: {  	_ =	shalt  }
0x66: {  	_ =	shalt  }
0x67: {  	_ =	shalt  }
0x68: {  	_ =	shalt  }
0x69: {  	_ =	shalt  }
0x6a: {  	_ =	shalt  }
0x6b: {  	_ =	shalt  }
0x6c: {  	_ =	shalt  }
0x6d: {  	_ =	shalt  }
0x6e: {  	_ =	shalt  }
0x6f: {  	_ =	shalt  }
0x70: {  	_ =	shalt  }
0x71: {  	_ =	shalt  }
0x72: {  	_ =	shalt  }
0x73: {  	_ =	shalt  }
0x74: {  	_ =	shalt  }
0x75: {  	_ =	shalt  }
0x76: {  	_ =	shalt  }
0x77: {  	_ =	shalt  }
0x78: {  	_ =	shalt  }
0x79: {  	_ =	shalt  }
0x7a: {  	_ =	shalt  }
0x7b: {  	_ =	shalt  }
0x7c: {  	_ =	shalt  }
0x7d: {  	_ =	shalt  }
0x7e: {  	_ =	shalt  }
0x7f: {  	_ =	shalt  }
0x80: {  	_ =	shalt  }
0x81: {  	_ =	shalt  }
0x82: {  	_ =	shalt  }
0x83: {  	_ =	shalt  }
0x84: {  	_ =	shalt  }
0x85: {  	_ =	shalt  }
0x86: {  	_ =	shalt  }
0x87: {  	_ =	shalt  }
.Lfunc_end0:
.L_simem_size_0:
called_computation_lowered:
.L_overlay_start_0:
0x88: {  	s2 =	sld [smem:$0x3FD9]  }
0x89: {  	s3 =	sld [smem:$0x3FFE];
	_ =	sdelay $0x1  }
0x8a: {  	s1 =	srdreg.scid  }
0x8b: {  	s0 =	sand.u32 $0x1, s1  }
0x8c: {  	s18 =	sshll.u32 s0, $0xA;
	s2 =	sadd.s32 s3, s2  }
0x8d: {  	s2 =	sadd.s32 s2, s18  }
0x8e: {  	[smem:$0x3FC4] =	sst s2  }
0x8f: {  	_ = 	snop  }
0x90: {  	s2 =	sld [smem:$0x3FC9]  }
0x91: {  	s19 =	sld [smem:$0x3FC8]  }
0x92: {  	s4 =	sld [smem:$0x3FC7]  }
0x93: {  	s5 =	sld [smem:$0x3FC6]  }
0x94: {  	s6 =	sld [smem:$0x3FD0];
	(tm) =	ssettm $0x1  }
0x95: {  	s7 =	sld [smem:$0x3FFB];
	_ =	sdelay $0x3  }
0x96: {  	_ =	strace s7  }
0x97: {  	s7 =	sld [smem:$0x3FFC];
	_ =	sdelay $0x3  }
0x98: {  	_ =	strace s7  }
0x99: {  	s7 =	sld [smem:$0x3FFD];
	_ =	sdelay $0x3  }
0x9a: {  	_ =	strace s7  }
0x9b: {  	_ =	strace $0x8FFFFFFF  }
0x9c: {  	s20 =	sld [smem:$0x3FDB];
	_ =	sdelay $0x1  }
0x9d: {  	s8 =	simm.s32 $_scs_section_size  }
0x9e: {  	s9 =	simm.s32 $_size__tile_overlayer_lowered;
	s10 =	simm.s32 $_tile_overlayer_lowered  }
0x9f: {  	s23 =	simm.s32 $0x1BFF;
	s22 =	sshll.u32 s10, $0x1;
	s7 =	sadd.s32 s8, s20  }
0xa0: {  	s11 =	simm.s32 $0x0;
	s21 =	sshll.u32 s9, $0x1;
	s9 =	sadd.s32 s22, s7  }
0xa1: {  	[timem:s11], [sflag:s23] =	dma.local [hbm:s9], s21  }
0xa2: {  	_ =	swait.ge [sflag:s23], s21  }
0xa3: {  	s8 =	ssub.s32 $0x0, s21;
	[sflag:s23] =	ssyncset.done $0x0  }
0xa4: {  	[sflag:s23] =	ssyncadd.s32 s8;
	_ =	sdelay $0x1  }
0xa5: {  	s24 =	simm.s32 $0x1B8B  }
0xa6: {  	_ =	swait.ge [sflag:s24], $0x1  }
0xa7: {  	[sflag:s24] =	ssyncset.done $0x0  }
0xa8: {  	s25 =	simm.s32 $0x1B8E;
	[sflag:s24] =	ssyncadd.s32 $0xFFFFFFFF  }
0xa9: {  	s26 =	simm.s32 $execute0_lowered;
	[smem:$0x3FD2] =	sst s25  }
0xaa: {  	s8 =	sshll.u32 s26, $0x1;
	_ =	strace $0x80000046;
	[dreg:$0x1] =	wrdreg $0xFFFFFFFF  }
0xab: {  	s28 =	simm.s32 $_size_execute0_lowered;
	s7 =	sadd.s32 s7, s8;
	[dreg:$0x0] =	wrdreg $0x0  }
0xac: {  	s8 =	sshll.u32 s28, $0x1;
	[dreg:$0x2] =	wrdreg s7  }
0xad: {  	[dreg:$0x3] =	wrdreg s8  }
0xae: {  	[dreg:$0x4] =	wrdreg $0xC0  }
0xaf: {  	_ =	task [dreg:s11], $0x5FFFF  }
0xb0: {  	[dreg:$0x1] =	wrdreg $0xFFFFFFFF  }
0xb1: {  	[dreg:$0x0] =	wrdreg $0x60  }
0xb2: {  	[dreg:$0x2] =	wrdreg s2  }
0xb3: {  	[dreg:$0x3] =	wrdreg s19  }
0xb4: {  	[dreg:$0x4] =	wrdreg s4  }
0xb5: {  	[dreg:$0x5] =	wrdreg s5  }
0xb6: {  	[dreg:$0x6] =	wrdreg s6  }
0xb7: {  	[dreg:$0x7] =	wrdreg $0x1B7000  }
0xb8: {  	[dreg:$0x8] =	wrdreg $0x9  }
0xb9: {  	_ =	task.clear_ibuf [dreg:s11], $0x9FFFF;
	_ =	strace $0x90000046  }
0xba: {  	s29 =	simm.s32 $0x9;
	_ =	strace $0x80000048  }
0xbb: {  	_ =	swait.ge [sflag:s29], $0x1  }
0xbc: {  	[sflag:s29] =	ssyncadd.s32 $0xFFFFFFFF  }
0xbd: {  	_ =	strace $0x90000048  }
0xbe: {  	_ =	sfence  }
0xbf: {  	s30 =	sld [smem:$0x0];
	_ =	sdelay $0x2  }
0xc0: {  	s31 =	sshll.u32 s1, $0xD;
	s1 =	sshrl.u32 s1, $0x2  }
0xc1: {  	s3 =	sand.u32 $0x4000, s31;
	s1 =	sadd.s32 s1, s30  }
0xc2: {  	s0 =	sor.u32 s3, s0;
	s1 =	sshll.u32 s1, $0x11  }
0xc3: {  	s0 =	sor.u32 s1, s0  }
0xc4: {  	s0 =	sadd.s32 $0x8F2B, s0  }
0xc5: {  	[sflag:s0] =	ssyncadd.remote.s32 $0x1  }
0xc6: {  	_ =	sfence.sel $0xFFFF  }
0xc7: {  	[dreg:$0x0] =	wrdreg $0xFFFFFFFF;
	(pc) =	sbr.abs _section_cstart, $3  }
0xc8: {  	[dreg:$0x1] =	wrdreg $0xFFFFFFFF  }
0xc9: {  	_ =	task.clear_ibuf [dreg:s11], $0x2FFFF;
	_ =	strace $0x9FFFFFFF  }
0xca: {  	(tm) =	ssettm $0x7FFFFFFF  }
0xcb: {  	_ =	shalt  }
tec
execute0_lowered:
.L_overlay_start_1:
0x0: {  	(tag) =	ssettag $0x1  }
0x1: {  	s0 =	rddreg [dreg:$0x0]  }
0x2: {  	s3 =	rddreg [dreg:$0x1]  }
0x3: {  	s1 =	rddreg [dreg:$0x2]  }
0x4: {  	s2 =	rddreg [dreg:$0x3]  }
0x5: {  	s16 =	rddreg [dreg:$0x4]  }
0x6: {  	s4 =	rddreg [dreg:$0x5]  }
0x7: {  	s5 =	srdreg.scid;
	s21 =	stileid.u32  }
0x8: {  	s19 =	simm.s32 $0x200;
	s20 =	simm.s32 $0x400;
	s24 =	simm.s32 $0x1400  }
0x9: {  	s28 =	simm.s32 $0x2000;
	s29 =	simm.s32 $0x1;
	s30 =	simm.s32 $0x2  }
0xa: {  	s31 =	simm.s32 $0x3;
	s15 =	sand.u32 $0x1, s5;
	s5 =	simm.s32 $0x0  }
0xb: {  	s7 =	sshll.u32 s21, $0x1;
	s10 =	sshll.u32 s21, $0x8;
	p0 =	seq.s32 s21, $0x0  }
0xc: {  	s6 =	sshll.u32 s15, $0x5;
	[smem:$0x7FF] =	sst s5;
	s25 =	ssub.s32 $0x2, s15  }
0xd: {  	s10 =	sand.u32 $0x300, s10;
	s26 =	sshll.u32 s15, $0x8;
	s6 =	sor.u32 s7, s6  }
0xe: {  	_ =	strace $0x80000047;
	s8 =	sshrl.u32 s25, $0x1;
	s6 =	sshrl.u32 s6, $0x3  }
0xf: {  	s7 =	sadd.s32 $0x10, s2;
	s16 =	sadd.s32 s16, s26;
	s9 =	smul.u32 $0xC3800, s6  }
0x10: {  	s26 =	simm.s32 $0x1C00;
	s17 =	ssub.s32 s25, s8;
	s8 =	sadd.s32 $0x30, s1  }
0x11: {  	s25 =	simm.s32 $0x1800;
	s6 =	sadd.s32 $0x10, s1;
	s11 =	sor.u32 s10, s9  }
0x12: {  	s17 =	smax.u32 s17, $0x1;
	s9 =	sadd.s32 $0x30, s2;
	s13 =	sshrl.u32 s11, $0x3  }
0x13: {  	s10 =	sadd.s32 $0x20, s1;
	s11 =	sadd.s32 $0x20, s2;
	s18 =	sor.u32 $0x10, s13  }
0x14: {  	s12 =	sadd.s32 s0, s13;
	s13 =	sadd.s32 s3, s13;
	s14 =	sadd.s32 s0, s18  }
0x15: {  	vm0 =	vmmov @!p0 $0xffff;
	s15 =	sadd.s32 s3, s18;
	s18 =	simm.s32 $0x80;
	s0 =	simm.s32 $0x0  }
.LBB2_1:
0x16: {  	[tilespmem:s5], [sflag:$0x1] =	stream.strided.gather [hbm4b:s1+s18], $0x400, s19, s18, $0x38;
	[tilespmem:$0x1B780] =	vst v63  }
0x17: {  	_ = 	snop  }
0x18: {  	[tilespmem:s20], [sflag:$0x1] =	stream.strided.gather [hbm4b:s2+s18], $0x400, s19, s18, $0x38;
	[tilespmem:$0x1B780] =	vst v63  }
0x19: {  	s3 =	simm.s32 $0x800  }
0x1a: {  	[tilespmem:s3], [sflag:$0x1] =	stream.strided.gather [hbm4b:s6+s18], $0x400, s19, s18, $0x38;
	[tilespmem:$0x1B780] =	vst v63  }
0x1b: {  	s22 =	simm.s32 $0xC00  }
0x1c: {  	[tilespmem:s22], [sflag:$0x1] =	stream.strided.gather [hbm4b:s7+s18], $0x400, s19, s18, $0x38;
	[tilespmem:$0x1B780] =	vst v63  }
0x1d: {  	s23 =	simm.s32 $0x1000  }
0x1e: {  	[tilespmem:s23], [sflag:$0x1] =	stream.strided.gather [hbm4b:s8+s18], $0x400, s19, s18, $0x38;
	[tilespmem:$0x1B780] =	vst v63  }
0x1f: {  	_ = 	snop  }
0x20: {  	[tilespmem:s24], [sflag:$0x1] =	stream.strided.gather [hbm4b:s9+s18], $0x400, s19, s18, $0x38;
	[tilespmem:$0x1B780] =	vst v63  }
0x21: {  	_ = 	snop  }
0x22: {  	[tilespmem:s25], [sflag:$0x1] =	stream.strided.gather [hbm4b:s10+s18], $0x400, s19, s18, $0x38;
	[tilespmem:$0x1B780] =	vst v63  }
0x23: {  	_ = 	snop  }
0x24: {  	[tilespmem:s26], [sflag:$0x1] =	stream.strided.gather [hbm4b:s11+s18], $0x400, s19, s18, $0x38;
	[tilespmem:$0x1B780] =	vst v63  }
0x25: {  	_ = 	snop  }
0x26: {  	[tilespmem:s28], [sflag:$0x2] =	stream.strided.gather [hbm4b:s12+s18], $0x18700, s20, s18, $0x38;
	[tilespmem:$0x1B780] =	vst v63  }
0x27: {  	_ =	swait.ge [sflag:s29], $0x400  }
0x28: {  	[sflag:s29] =	ssyncset.done $0x0  }
0x29: {  	[sflag:s29] =	ssyncadd.s32 $0xFFFFFC00  }
0x2a: {  	_ =	swait.ge [sflag:s29], $0x400  }
0x2b: {  	[sflag:s29] =	ssyncset.done $0x0  }
0x2c: {  	[sflag:s29] =	ssyncadd.s32 $0xFFFFFC00  }
0x2d: {  	_ =	swait.ge [sflag:s29], $0x400  }
0x2e: {  	[sflag:s29] =	ssyncset.done $0x0  }
0x2f: {  	[sflag:s29] =	ssyncadd.s32 $0xFFFFFC00  }
0x30: {  	_ =	swait.ge [sflag:s29], $0x400  }
0x31: {  	[sflag:s29] =	ssyncset.done $0x0  }
0x32: {  	[sflag:s29] =	ssyncadd.s32 $0xFFFFFC00  }
0x33: {  	_ =	swait.ge [sflag:s29], $0x400  }
0x34: {  	[sflag:s29] =	ssyncset.done $0x0  }
0x35: {  	[sflag:s29] =	ssyncadd.s32 $0xFFFFFC00  }
0x36: {  	_ =	swait.ge [sflag:s29], $0x400  }
0x37: {  	[sflag:s29] =	ssyncset.done $0x0  }
0x38: {  	[sflag:s29] =	ssyncadd.s32 $0xFFFFFC00  }
0x39: {  	_ =	swait.ge [sflag:s29], $0x400  }
0x3a: {  	[sflag:s29] =	ssyncset.done $0x0  }
0x3b: {  	[sflag:s29] =	ssyncadd.s32 $0xFFFFFC00  }
0x3c: {  	_ =	swait.ge [sflag:s29], $0x400  }
0x3d: {  	[sflag:s29] =	ssyncset.done $0x0  }
0x3e: {  	[sflag:s29] =	ssyncadd.s32 $0xFFFFFC00  }
0x3f: {  	_ =	swait.ge [sflag:s30], $0x18700  }
0x40: {  	[sflag:s30] =	ssyncset.done $0x0  }
0x41: {  	s3 =	simm.s32 $0x0;
	[sflag:s30] =	ssyncadd.s32 $0xFFFE7900  }
0x42: {  	v0 =	vld [tilespmem:s3+$0x0]  }
0x43: {  	v1 =	vld [tilespmem:s3+$0x1800];
	_ =	sdelay $0x5  }
0x44: {  	v2 =	vld [tilespmem:s3+$0x10]  }
0x45: {  	v0 =	vld.idx.msk [tilespmem:v0+s28+$0x0], $0xffff  }
0x46: {  	v1 =	vld.idx.msk [tilespmem:v1+s28+$0x0], $0xffff  }
0x47: {  	v3 =	vld [tilespmem:s3+$0x1810];
	_ =	sdelay $0x3  }
0x48: {  	v0 =	vsub.f32 v0, v1;
	_ =	sdelay $0x1  }
0x49: {  	[tilespmem:s3+$0x1A700] =	vst v0  }
0x4a: {  	v0 =	vld.idx.msk [tilespmem:v2+s28+$0x0], $0xffff  }
0x4b: {  	v1 =	vld.idx.msk [tilespmem:v3+s28+$0x0], $0xffff  }
0x4c: {  	v2 =	vld [tilespmem:s3+$0x20]  }
0x4d: {  	v3 =	vld [tilespmem:s3+$0x1820];
	_ =	sdelay $0x3  }
0x4e: {  	v0 =	vsub.f32 v0, v1;
	_ =	sdelay $0x1  }
0x4f: {  	[tilespmem:s3+$0x1A710] =	vst v0  }
0x50: {  	v0 =	vld.idx.msk [tilespmem:v2+s28+$0x0], $0xffff  }
0x51: {  	v1 =	vld.idx.msk [tilespmem:v3+s28+$0x0], $0xffff  }
0x52: {  	v2 =	vld [tilespmem:s3+$0x30]  }
0x53: {  	v3 =	vld [tilespmem:s3+$0x1830];
	_ =	sdelay $0x3  }
0x54: {  	v0 =	vsub.f32 v0, v1;
	_ =	sdelay $0x1  }
0x55: {  	[tilespmem:s3+$0x1A720] =	vst v0  }
0x56: {  	v0 =	vld.idx.msk [tilespmem:v2+s28+$0x0], $0xffff  }
0x57: {  	v1 =	vld.idx.msk [tilespmem:v3+s28+$0x0], $0xffff  }
0x58: {  	v2 =	vld [tilespmem:s3+$0x40]  }
0x59: {  	v3 =	vld [tilespmem:s3+$0x1840];
	_ =	sdelay $0x3  }
0x5a: {  	v0 =	vsub.f32 v0, v1;
	_ =	sdelay $0x1  }
0x5b: {  	[tilespmem:s3+$0x1A730] =	vst v0  }
0x5c: {  	v0 =	vld.idx.msk [tilespmem:v2+s28+$0x0], $0xffff  }
0x5d: {  	v1 =	vld.idx.msk [tilespmem:v3+s28+$0x0], $0xffff  }
0x5e: {  	v2 =	vld [tilespmem:s3+$0x50]  }
0x5f: {  	v3 =	vld [tilespmem:s3+$0x1850];
	_ =	sdelay $0x3  }
0x60: {  	v0 =	vsub.f32 v0, v1;
	_ =	sdelay $0x1  }
0x61: {  	[tilespmem:s3+$0x1A740] =	vst v0  }
0x62: {  	v0 =	vld.idx.msk [tilespmem:v2+s28+$0x0], $0xffff  }
0x63: {  	v1 =	vld.idx.msk [tilespmem:v3+s28+$0x0], $0xffff  }
0x64: {  	v2 =	vld [tilespmem:s3+$0x60]  }
0x65: {  	v3 =	vld [tilespmem:s3+$0x1860];
	_ =	sdelay $0x3  }
0x66: {  	v0 =	vsub.f32 v0, v1;
	_ =	sdelay $0x1  }
0x67: {  	[tilespmem:s3+$0x1A750] =	vst v0  }
0x68: {  	v0 =	vld.idx.msk [tilespmem:v2+s28+$0x0], $0xffff  }
0x69: {  	v1 =	vld.idx.msk [tilespmem:v3+s28+$0x0], $0xffff;
	_ =	sdelay $0x2  }
0x6a: {  	v2 =	vld [tilespmem:s3+$0x70];
	_ =	sdelay $0x1  }
0x6b: {  	v1 =	vsub.f32 v0, v1;
	v0 =	vld [tilespmem:s3+$0x1870];
	_ =	sdelay $0x4  }
0x6c: {  	[tilespmem:s3+$0x1A760] =	vst v1  }
0x6d: {  	s21 =	simm.s32 $0x200;
	s22 =	simm.s32 $0x400;
	v1 =	vld.idx.msk [tilespmem:v2+s28+$0x0], $0xffff  }
.LBB2_2:
0x6e: {  	p1 =	sne.s32 s22, $0x1E00  }
0x6f: {  	s23 =	sshra.s32 s21, $0x2;
	v0 =	vld.idx.msk [tilespmem:v0+s28+$0x0], $0xffff;
	s21 =	smov.u32 s22;
	s22 =	sadd.s32 $0x200, s22  }
0x70: {  	v2 =	vld [tilespmem:s23+$0x0]  }
0x71: {  	v3 =	vld [tilespmem:s23+$0x1800];
	_ =	sdelay $0x3  }
0x72: {  	v0 =	vsub.f32 v1, v0;
	_ =	sdelay $0x1  }
0x73: {  	v1 =	vld [tilespmem:s23+$0x1810];
	[tilespmem:s3+$0x1A770] =	vst v0;
	s3 =	smov.u32 s23  }
0x74: {  	v0 =	vld.idx.msk [tilespmem:v2+s28+$0x0], $0xffff  }
0x75: {  	v2 =	vld.idx.msk [tilespmem:v3+s28+$0x0], $0xffff  }
0x76: {  	v3 =	vld [tilespmem:s3+$0x10];
	_ =	sdelay $0x4  }
0x77: {  	v0 =	vsub.f32 v0, v2;
	_ =	sdelay $0x1  }
0x78: {  	[tilespmem:s3+$0x1A700] =	vst v0;
	v0 =	vld [tilespmem:s3+$0x1820]  }
0x79: {  	v2 =	vld.idx.msk [tilespmem:v3+s28+$0x0], $0xffff  }
0x7a: {  	v1 =	vld.idx.msk [tilespmem:v1+s28+$0x0], $0xffff  }
0x7b: {  	v3 =	vld [tilespmem:s3+$0x20];
	_ =	sdelay $0x4  }
0x7c: {  	v1 =	vsub.f32 v2, v1;
	_ =	sdelay $0x1  }
0x7d: {  	[tilespmem:s3+$0x1A710] =	vst v1;
	v1 =	vld [tilespmem:s3+$0x1830]  }
0x7e: {  	v2 =	vld.idx.msk [tilespmem:v3+s28+$0x0], $0xffff  }
0x7f: {  	v0 =	vld.idx.msk [tilespmem:v0+s28+$0x0], $0xffff  }
0x80: {  	v3 =	vld [tilespmem:s3+$0x30];
	_ =	sdelay $0x4  }
0x81: {  	v0 =	vsub.f32 v2, v0;
	_ =	sdelay $0x1  }
0x82: {  	[tilespmem:s3+$0x1A720] =	vst v0;
	v0 =	vld [tilespmem:s3+$0x1840]  }
0x83: {  	v2 =	vld.idx.msk [tilespmem:v3+s28+$0x0], $0xffff  }
0x84: {  	v1 =	vld.idx.msk [tilespmem:v1+s28+$0x0], $0xffff  }
0x85: {  	v3 =	vld [tilespmem:s3+$0x40];
	_ =	sdelay $0x4  }
0x86: {  	v1 =	vsub.f32 v2, v1;
	_ =	sdelay $0x1  }
0x87: {  	[tilespmem:s3+$0x1A730] =	vst v1;
	v1 =	vld [tilespmem:s3+$0x1850]  }
0x88: {  	v2 =	vld.idx.msk [tilespmem:v3+s28+$0x0], $0xffff  }
0x89: {  	v0 =	vld.idx.msk [tilespmem:v0+s28+$0x0], $0xffff  }
0x8a: {  	v3 =	vld [tilespmem:s3+$0x50];
	_ =	sdelay $0x4  }
0x8b: {  	v0 =	vsub.f32 v2, v0;
	_ =	sdelay $0x1  }
0x8c: {  	[tilespmem:s3+$0x1A740] =	vst v0;
	v2 =	vld [tilespmem:s3+$0x1860]  }
0x8d: {  	v0 =	vld.idx.msk [tilespmem:v3+s28+$0x0], $0xffff  }
0x8e: {  	v1 =	vld.idx.msk [tilespmem:v1+s28+$0x0], $0xffff  }
0x8f: {  	v3 =	vld [tilespmem:s3+$0x60];
	_ =	sdelay $0x4  }
0x90: {  	v0 =	vsub.f32 v0, v1;
	_ =	sdelay $0x1  }
0x91: {  	[tilespmem:s3+$0x1A750] =	vst v0;
	v0 =	vld [tilespmem:s3+$0x1870]  }
0x92: {  	v1 =	vld.idx.msk [tilespmem:v3+s28+$0x0], $0xffff  }
0x93: {  	v2 =	vld.idx.msk [tilespmem:v2+s28+$0x0], $0xffff  }
0x94: {  	v3 =	vld [tilespmem:s3+$0x70];
	_ =	sdelay $0x3  }
.Ltmp0:
0x95: {  	(pc) =	sbr.rel @p1 .LBB2_2-.Ltmp0, $3  }
0x96: {  	v1 =	vsub.f32 v1, v2;
	_ =	sdelay $0x1  }
0x97: {  	[tilespmem:s3+$0x1A760] =	vst v1  }
0x98: {  	v1 =	vld.idx.msk [tilespmem:v3+s28+$0x0], $0xffff  }
0x99: {  	_ =	sdelay $0x3  }
0x9a: {  	s21 =	sshra.s32 s21, $0x2;
	v0 =	vld.idx.msk [tilespmem:v0+s28+$0x0], $0xffff  }
0x9b: {  	v2 =	vld [tilespmem:s21+$0x0]  }
0x9c: {  	v3 =	vld [tilespmem:s21+$0x1800];
	_ =	sdelay $0x3  }
0x9d: {  	v0 =	vsub.f32 v1, v0;
	_ =	sdelay $0x1  }
0x9e: {  	v1 =	vld [tilespmem:s21+$0x1810];
	[tilespmem:s3+$0x1A770] =	vst v0  }
0x9f: {  	v0 =	vld.idx.msk [tilespmem:v2+s28+$0x0], $0xffff  }
0xa0: {  	v2 =	vld.idx.msk [tilespmem:v3+s28+$0x0], $0xffff  }
0xa1: {  	v3 =	vld [tilespmem:s21+$0x10];
	_ =	sdelay $0x4  }
0xa2: {  	v0 =	vsub.f32 v0, v2;
	_ =	sdelay $0x1  }
0xa3: {  	v2 =	vld [tilespmem:s21+$0x20];
	[tilespmem:s21+$0x1A700] =	vst v0  }
0xa4: {  	v0 =	vld.idx.msk [tilespmem:v3+s28+$0x0], $0xffff  }
0xa5: {  	v1 =	vld.idx.msk [tilespmem:v1+s28+$0x0], $0xffff  }
0xa6: {  	v3 =	vld [tilespmem:s21+$0x1820];
	_ =	sdelay $0x3  }
0xa7: {  	v0 =	vsub.f32 v0, v1;
	_ =	sdelay $0x1  }
0xa8: {  	[tilespmem:s21+$0x1A710] =	vst v0  }
0xa9: {  	v0 =	vld.idx.msk [tilespmem:v2+s28+$0x0], $0xffff  }
0xaa: {  	v1 =	vld.idx.msk [tilespmem:v3+s28+$0x0], $0xffff  }
0xab: {  	v2 =	vld [tilespmem:s21+$0x30]  }
0xac: {  	v3 =	vld [tilespmem:s21+$0x1830];
	_ =	sdelay $0x3  }
0xad: {  	v0 =	vsub.f32 v0, v1;
	_ =	sdelay $0x1  }
0xae: {  	[tilespmem:s21+$0x1A720] =	vst v0  }
0xaf: {  	v0 =	vld.idx.msk [tilespmem:v2+s28+$0x0], $0xffff  }
0xb0: {  	v1 =	vld.idx.msk [tilespmem:v3+s28+$0x0], $0xffff  }
0xb1: {  	v2 =	vld [tilespmem:s21+$0x40]  }
0xb2: {  	v3 =	vld [tilespmem:s21+$0x1840];
	_ =	sdelay $0x3  }
0xb3: {  	v0 =	vsub.f32 v0, v1;
	_ =	sdelay $0x1  }
0xb4: {  	[tilespmem:s21+$0x1A730] =	vst v0  }
0xb5: {  	v0 =	vld.idx.msk [tilespmem:v2+s28+$0x0], $0xffff  }
0xb6: {  	v1 =	vld.idx.msk [tilespmem:v3+s28+$0x0], $0xffff  }
0xb7: {  	v2 =	vld [tilespmem:s21+$0x50]  }
0xb8: {  	v3 =	vld [tilespmem:s21+$0x1850];
	_ =	sdelay $0x3  }
0xb9: {  	v0 =	vsub.f32 v0, v1;
	_ =	sdelay $0x1  }
0xba: {  	[tilespmem:s21+$0x1A740] =	vst v0  }
0xbb: {  	v0 =	vld.idx.msk [tilespmem:v2+s28+$0x0], $0xffff  }
0xbc: {  	v1 =	vld.idx.msk [tilespmem:v3+s28+$0x0], $0xffff  }
0xbd: {  	v2 =	vld [tilespmem:s21+$0x60]  }
0xbe: {  	v3 =	vld [tilespmem:s21+$0x1860];
	_ =	sdelay $0x3  }
0xbf: {  	v0 =	vsub.f32 v0, v1;
	_ =	sdelay $0x1  }
0xc0: {  	[tilespmem:s21+$0x1A750] =	vst v0  }
0xc1: {  	v0 =	vld.idx.msk [tilespmem:v2+s28+$0x0], $0xffff  }
0xc2: {  	v1 =	vld.idx.msk [tilespmem:v3+s28+$0x0], $0xffff  }
0xc3: {  	v2 =	vld [tilespmem:s21+$0x70]  }
0xc4: {  	v3 =	vld [tilespmem:s21+$0x1870];
	_ =	sdelay $0x3  }
0xc5: {  	v0 =	vsub.f32 v0, v1;
	_ =	sdelay $0x1  }
0xc6: {  	[tilespmem:s21+$0x1A760] =	vst v0  }
0xc7: {  	v0 =	vld.idx.msk [tilespmem:v2+s28+$0x0], $0xffff  }
0xc8: {  	v1 =	vld.idx.msk [tilespmem:v3+s28+$0x0], $0xffff;
	_ =	sdelay $0x4  }
0xc9: {  	v0 =	vsub.f32 v0, v1;
	_ =	sdelay $0x1  }
0xca: {  	[tilespmem:s21+$0x1A770] =	vst v0  }
0xcb: {  	[tilespmem:s28], [sflag:$0x3] =	stream.strided.gather [hbm4b:s13+s18], $0x18700, s20, s18, $0x38;
	[tilespmem:$0x1B780] =	vst v63  }
0xcc: {  	_ =	swait.ge [sflag:s31], $0x18700  }
0xcd: {  	[sflag:s31] =	ssyncset.done $0x0  }
0xce: {  	s3 =	simm.s32 $0x0;
	[sflag:s31] =	ssyncadd.s32 $0xFFFE7900  }
0xcf: {  	v0 =	vld [tilespmem:s3+$0x800];
	_ =	sdelay $0x1  }
0xd0: {  	v1 =	vld [tilespmem:s3+$0x1000];
	_ =	sdelay $0x4  }
0xd1: {  	v2 =	vld [tilespmem:s3+$0x1A700]  }
0xd2: {  	v0 =	vld.idx.msk [tilespmem:v0+s28+$0x0], $0xffff;
	_ =	sdelay $0x1  }
0xd3: {  	v1 =	vld.idx.msk [tilespmem:v1+s28+$0x0], $0xffff;
	_ =	sdelay $0x1  }
0xd4: {  	v3 =	vld [tilespmem:s3+$0x810]  }
0xd5: {  	v0 =	vadd.f32 v2, v0  }
0xd6: {  	v2 =	vld [tilespmem:s3+$0x1010]  }
0xd7: {  	v0 =	vadd.f32 v0, v1;
	_ =	sdelay $0x1  }
0xd8: {  	v0 =	vmul.f32 v0, v0;
	_ =	sdelay $0x1  }
0xd9: {  	v1 =	vld [tilespmem:s3+$0x1A710];
	[tilespmem:s3+$0x1AF00] =	vst v0  }
0xda: {  	v0 =	vld.idx.msk [tilespmem:v3+s28+$0x0], $0xffff;
	_ =	sdelay $0x1  }
0xdb: {  	v2 =	vld.idx.msk [tilespmem:v2+s28+$0x0], $0xffff;
	_ =	sdelay $0x1  }
0xdc: {  	v3 =	vld [tilespmem:s3+$0x820]  }
0xdd: {  	v0 =	vadd.f32 v1, v0  }
0xde: {  	v1 =	vld [tilespmem:s3+$0x1020]  }
0xdf: {  	v0 =	vadd.f32 v0, v2;
	_ =	sdelay $0x1  }
0xe0: {  	v0 =	vmul.f32 v0, v0;
	_ =	sdelay $0x1  }
0xe1: {  	v2 =	vld [tilespmem:s3+$0x1A720];
	[tilespmem:s3+$0x1AF10] =	vst v0  }
0xe2: {  	v0 =	vld.idx.msk [tilespmem:v3+s28+$0x0], $0xffff;
	_ =	sdelay $0x1  }
0xe3: {  	v1 =	vld.idx.msk [tilespmem:v1+s28+$0x0], $0xffff;
	_ =	sdelay $0x1  }
0xe4: {  	v3 =	vld [tilespmem:s3+$0x830]  }
0xe5: {  	v0 =	vadd.f32 v2, v0  }
0xe6: {  	v2 =	vld [tilespmem:s3+$0x1030]  }
0xe7: {  	v0 =	vadd.f32 v0, v1;
	_ =	sdelay $0x1  }
0xe8: {  	v0 =	vmul.f32 v0, v0;
	_ =	sdelay $0x1  }
0xe9: {  	v1 =	vld [tilespmem:s3+$0x1A730];
	[tilespmem:s3+$0x1AF20] =	vst v0  }
0xea: {  	v0 =	vld.idx.msk [tilespmem:v3+s28+$0x0], $0xffff;
	_ =	sdelay $0x1  }
0xeb: {  	v2 =	vld.idx.msk [tilespmem:v2+s28+$0x0], $0xffff;
	_ =	sdelay $0x1  }
0xec: {  	v3 =	vld [tilespmem:s3+$0x840]  }
0xed: {  	v0 =	vadd.f32 v1, v0  }
0xee: {  	v1 =	vld [tilespmem:s3+$0x1040]  }
0xef: {  	v0 =	vadd.f32 v0, v2;
	_ =	sdelay $0x1  }
0xf0: {  	v0 =	vmul.f32 v0, v0;
	_ =	sdelay $0x1  }
0xf1: {  	v2 =	vld [tilespmem:s3+$0x1A740];
	[tilespmem:s3+$0x1AF30] =	vst v0  }
0xf2: {  	v0 =	vld.idx.msk [tilespmem:v3+s28+$0x0], $0xffff;
	_ =	sdelay $0x1  }
0xf3: {  	v1 =	vld.idx.msk [tilespmem:v1+s28+$0x0], $0xffff;
	_ =	sdelay $0x1  }
0xf4: {  	v3 =	vld [tilespmem:s3+$0x850]  }
0xf5: {  	v0 =	vadd.f32 v2, v0  }
0xf6: {  	v2 =	vld [tilespmem:s3+$0x1050]  }
0xf7: {  	v0 =	vadd.f32 v0, v1;
	_ =	sdelay $0x1  }
0xf8: {  	v0 =	vmul.f32 v0, v0;
	_ =	sdelay $0x1  }
0xf9: {  	[tilespmem:s3+$0x1AF40] =	vst v0;
	v0 =	vld [tilespmem:s3+$0x1A750]  }
0xfa: {  	v1 =	vld.idx.msk [tilespmem:v3+s28+$0x0], $0xffff;
	_ =	sdelay $0x1  }
0xfb: {  	v2 =	vld.idx.msk [tilespmem:v2+s28+$0x0], $0xffff;
	_ =	sdelay $0x1  }
0xfc: {  	v3 =	vld [tilespmem:s3+$0x860]  }
0xfd: {  	v0 =	vadd.f32 v0, v1  }
0xfe: {  	v1 =	vld [tilespmem:s3+$0x1060]  }
0xff: {  	v0 =	vadd.f32 v0, v2;
	_ =	sdelay $0x1  }
0x100: {  	v0 =	vmul.f32 v0, v0;
	_ =	sdelay $0x1  }
0x101: {  	[tilespmem:s3+$0x1AF50] =	vst v0;
	v0 =	vld [tilespmem:s3+$0x1A760]  }
0x102: {  	v2 =	vld.idx.msk [tilespmem:v3+s28+$0x0], $0xffff;
	_ =	sdelay $0x1  }
0x103: {  	v1 =	vld.idx.msk [tilespmem:v1+s28+$0x0], $0xffff;
	_ =	sdelay $0x1  }
0x104: {  	v3 =	vld [tilespmem:s3+$0x870]  }
0x105: {  	v0 =	vadd.f32 v0, v2  }
0x106: {  	v2 =	vld [tilespmem:s3+$0x1070]  }
0x107: {  	v0 =	vadd.f32 v0, v1;
	_ =	sdelay $0x1  }
0x108: {  	v0 =	vmul.f32 v0, v0;
	_ =	sdelay $0x1  }
0x109: {  	[tilespmem:s3+$0x1AF60] =	vst v0;
	v0 =	vld [tilespmem:s3+$0x1A770]  }
0x10a: {  	v1 =	vld.idx.msk [tilespmem:v3+s28+$0x0], $0xffff;
	_ =	sdelay $0x1  }
0x10b: {  	v2 =	vld.idx.msk [tilespmem:v2+s28+$0x0], $0xffff;
	_ =	sdelay $0x1  }
0x10c: {  	s23 =	simm.s32 $0x80  }
0x10d: {  	v0 =	vadd.f32 v0, v1;
	v1 =	vld [tilespmem:s23+$0x800];
	_ =	sdelay $0x1  }
0x10e: {  	v2 =	vadd.f32 v0, v2;
	v0 =	vld [tilespmem:s23+$0x1000];
	_ =	sdelay $0x2  }
0x10f: {  	s21 =	simm.s32 $0x400;
	v2 =	vmul.f32 v2, v2  }
.LBB2_4:
0x110: {  	_ = 	snop  }
0x111: {  	p1 =	sne.s32 s21, $0x1E00;
	s22 =	smov.u32 s21;
	s21 =	sadd.s32 $0x200, s21;
	[tilespmem:s3+$0x1AF70] =	vst v2  }
0x112: {  	s3 =	smov.u32 s23;
	v1 =	vld.idx.msk [tilespmem:v1+s28+$0x0], $0xffff  }
0x113: {  	v2 =	vld [tilespmem:s3+$0x1A700]  }
0x114: {  	v0 =	vld.idx.msk [tilespmem:v0+s28+$0x0], $0xffff;
	_ =	sdelay $0x2  }
0x115: {  	v3 =	vld [tilespmem:s3+$0x810]  }
0x116: {  	v1 =	vadd.f32 v2, v1  }
0x117: {  	v2 =	vld [tilespmem:s3+$0x1010]  }
0x118: {  	v0 =	vadd.f32 v1, v0;
	_ =	sdelay $0x1  }
0x119: {  	v0 =	vmul.f32 v0, v0;
	_ =	sdelay $0x1  }
0x11a: {  	[tilespmem:s3+$0x1AF00] =	vst v0  }
0x11b: {  	v0 =	vld.idx.msk [tilespmem:v3+s28+$0x0], $0xffff  }
0x11c: {  	v1 =	vld [tilespmem:s3+$0x1A710]  }
0x11d: {  	v2 =	vld.idx.msk [tilespmem:v2+s28+$0x0], $0xffff;
	_ =	sdelay $0x2  }
0x11e: {  	v3 =	vld [tilespmem:s3+$0x820]  }
0x11f: {  	v0 =	vadd.f32 v1, v0  }
0x120: {  	v1 =	vld [tilespmem:s3+$0x1020]  }
0x121: {  	v0 =	vadd.f32 v0, v2;
	_ =	sdelay $0x1  }
0x122: {  	v0 =	vmul.f32 v0, v0;
	_ =	sdelay $0x1  }
0x123: {  	[tilespmem:s3+$0x1AF10] =	vst v0  }
0x124: {  	v0 =	vld.idx.msk [tilespmem:v3+s28+$0x0], $0xffff  }
0x125: {  	v2 =	vld [tilespmem:s3+$0x1A720]  }
0x126: {  	v1 =	vld.idx.msk [tilespmem:v1+s28+$0x0], $0xffff;
	_ =	sdelay $0x2  }
0x127: {  	v3 =	vld [tilespmem:s3+$0x830]  }
0x128: {  	v0 =	vadd.f32 v2, v0  }
0x129: {  	v2 =	vld [tilespmem:s3+$0x1030]  }
0x12a: {  	v0 =	vadd.f32 v0, v1;
	_ =	sdelay $0x1  }
0x12b: {  	v0 =	vmul.f32 v0, v0;
	_ =	sdelay $0x1  }
0x12c: {  	[tilespmem:s3+$0x1AF20] =	vst v0  }
0x12d: {  	v0 =	vld.idx.msk [tilespmem:v3+s28+$0x0], $0xffff  }
0x12e: {  	v1 =	vld [tilespmem:s3+$0x1A730]  }
0x12f: {  	v2 =	vld.idx.msk [tilespmem:v2+s28+$0x0], $0xffff;
	_ =	sdelay $0x2  }
0x130: {  	v3 =	vld [tilespmem:s3+$0x840]  }
0x131: {  	v0 =	vadd.f32 v1, v0  }
0x132: {  	v1 =	vld [tilespmem:s3+$0x1040]  }
0x133: {  	v0 =	vadd.f32 v0, v2;
	_ =	sdelay $0x1  }
0x134: {  	v0 =	vmul.f32 v0, v0;
	_ =	sdelay $0x1  }
0x135: {  	[tilespmem:s3+$0x1AF30] =	vst v0  }
0x136: {  	v0 =	vld.idx.msk [tilespmem:v3+s28+$0x0], $0xffff  }
0x137: {  	v2 =	vld [tilespmem:s3+$0x1A740]  }
0x138: {  	v1 =	vld.idx.msk [tilespmem:v1+s28+$0x0], $0xffff;
	_ =	sdelay $0x2  }
0x139: {  	v3 =	vld [tilespmem:s3+$0x850]  }
0x13a: {  	v0 =	vadd.f32 v2, v0;
	v2 =	vld [tilespmem:s3+$0x1050];
	_ =	sdelay $0x1  }
0x13b: {  	v0 =	vadd.f32 v0, v1;
	_ =	sdelay $0x1  }
0x13c: {  	v0 =	vmul.f32 v0, v0;
	_ =	sdelay $0x1  }
0x13d: {  	[tilespmem:s3+$0x1AF40] =	vst v0;
	v0 =	vld [tilespmem:s3+$0x1A750]  }
0x13e: {  	v1 =	vld.idx.msk [tilespmem:v3+s28+$0x0], $0xffff  }
0x13f: {  	v2 =	vld.idx.msk [tilespmem:v2+s28+$0x0], $0xffff;
	_ =	sdelay $0x3  }
0x140: {  	v3 =	vld [tilespmem:s3+$0x860]  }
0x141: {  	v0 =	vadd.f32 v0, v1;
	v1 =	vld [tilespmem:s3+$0x1060];
	_ =	sdelay $0x1  }
0x142: {  	v0 =	vadd.f32 v0, v2;
	_ =	sdelay $0x1  }
0x143: {  	v0 =	vmul.f32 v0, v0;
	_ =	sdelay $0x1  }
0x144: {  	[tilespmem:s3+$0x1AF50] =	vst v0;
	v0 =	vld [tilespmem:s3+$0x1A760]  }
0x145: {  	v2 =	vld.idx.msk [tilespmem:v3+s28+$0x0], $0xffff  }
0x146: {  	v1 =	vld.idx.msk [tilespmem:v1+s28+$0x0], $0xffff;
	_ =	sdelay $0x3  }
0x147: {  	v3 =	vld [tilespmem:s3+$0x870]  }
0x148: {  	v0 =	vadd.f32 v0, v2;
	v2 =	vld [tilespmem:s3+$0x1070];
	_ =	sdelay $0x1  }
0x149: {  	v0 =	vadd.f32 v0, v1;
	_ =	sdelay $0x1  }
0x14a: {  	v0 =	vmul.f32 v0, v0;
	_ =	sdelay $0x1  }
0x14b: {  	[tilespmem:s3+$0x1AF60] =	vst v0;
	v4 =	vld [tilespmem:s3+$0x1A770]  }
0x14c: {  	v3 =	vld.idx.msk [tilespmem:v3+s28+$0x0], $0xffff  }
0x14d: {  	v2 =	vld.idx.msk [tilespmem:v2+s28+$0x0], $0xffff;
	_ =	sdelay $0x2  }
0x14e: {  	s23 =	sshra.s32 s22, $0x2  }
0x14f: {  	v1 =	vld [tilespmem:s23+$0x800]  }
.Ltmp1:
0x150: {  	v3 =	vadd.f32 v4, v3;
	v0 =	vld [tilespmem:s23+$0x1000];
	(pc) =	sbr.rel @p1 .LBB2_4-.Ltmp1, $3  }
0x151: {  	_ = 	snop  }
0x152: {  	v2 =	vadd.f32 v3, v2;
	_ =	sdelay $0x1  }
0x153: {  	v2 =	vmul.f32 v2, v2  }
0x154: {  	_ =	sdelay $0x2  }
0x155: {  	[tilespmem:s3+$0x1AF70] =	vst v2  }
0x156: {  	v1 =	vld.idx.msk [tilespmem:v1+s28+$0x0], $0xffff  }
0x157: {  	v2 =	vld [tilespmem:s23+$0x1A700];
	_ =	sdelay $0x1  }
0x158: {  	v0 =	vld.idx.msk [tilespmem:v0+s28+$0x0], $0xffff;
	_ =	sdelay $0x1  }
0x159: {  	v3 =	vld [tilespmem:s23+$0x810]  }
0x15a: {  	v1 =	vadd.f32 v2, v1  }
0x15b: {  	v2 =	vld [tilespmem:s23+$0x1010]  }
0x15c: {  	v0 =	vadd.f32 v1, v0;
	_ =	sdelay $0x1  }
0x15d: {  	v0 =	vmul.f32 v0, v0;
	_ =	sdelay $0x1  }
0x15e: {  	v1 =	vld [tilespmem:s23+$0x1A710];
	[tilespmem:s23+$0x1AF00] =	vst v0  }
0x15f: {  	v0 =	vld.idx.msk [tilespmem:v3+s28+$0x0], $0xffff;
	_ =	sdelay $0x1  }
0x160: {  	v2 =	vld.idx.msk [tilespmem:v2+s28+$0x0], $0xffff;
	_ =	sdelay $0x1  }
0x161: {  	v3 =	vld [tilespmem:s23+$0x820]  }
0x162: {  	v0 =	vadd.f32 v1, v0  }
0x163: {  	v1 =	vld [tilespmem:s23+$0x1020]  }
0x164: {  	v0 =	vadd.f32 v0, v2;
	_ =	sdelay $0x1  }
0x165: {  	v0 =	vmul.f32 v0, v0;
	_ =	sdelay $0x1  }
0x166: {  	v2 =	vld [tilespmem:s23+$0x1A720];
	[tilespmem:s23+$0x1AF10] =	vst v0  }
0x167: {  	v0 =	vld.idx.msk [tilespmem:v3+s28+$0x0], $0xffff;
	_ =	sdelay $0x1  }
0x168: {  	v1 =	vld.idx.msk [tilespmem:v1+s28+$0x0], $0xffff;
	_ =	sdelay $0x1  }
0x169: {  	v3 =	vld [tilespmem:s23+$0x830]  }
0x16a: {  	v0 =	vadd.f32 v2, v0  }
0x16b: {  	v2 =	vld [tilespmem:s23+$0x1030]  }
0x16c: {  	v0 =	vadd.f32 v0, v1;
	_ =	sdelay $0x1  }
0x16d: {  	v0 =	vmul.f32 v0, v0;
	_ =	sdelay $0x1  }
0x16e: {  	v1 =	vld [tilespmem:s23+$0x1A730];
	[tilespmem:s23+$0x1AF20] =	vst v0  }
0x16f: {  	v0 =	vld.idx.msk [tilespmem:v3+s28+$0x0], $0xffff;
	_ =	sdelay $0x1  }
0x170: {  	v2 =	vld.idx.msk [tilespmem:v2+s28+$0x0], $0xffff;
	_ =	sdelay $0x1  }
0x171: {  	v3 =	vld [tilespmem:s23+$0x840]  }
0x172: {  	v0 =	vadd.f32 v1, v0  }
0x173: {  	v1 =	vld [tilespmem:s23+$0x1040]  }
0x174: {  	v0 =	vadd.f32 v0, v2;
	_ =	sdelay $0x1  }
0x175: {  	v0 =	vmul.f32 v0, v0;
	_ =	sdelay $0x1  }
0x176: {  	v2 =	vld [tilespmem:s23+$0x1A740];
	[tilespmem:s23+$0x1AF30] =	vst v0  }
0x177: {  	v0 =	vld.idx.msk [tilespmem:v3+s28+$0x0], $0xffff;
	_ =	sdelay $0x1  }
0x178: {  	v1 =	vld.idx.msk [tilespmem:v1+s28+$0x0], $0xffff;
	_ =	sdelay $0x1  }
0x179: {  	v3 =	vld [tilespmem:s23+$0x850]  }
0x17a: {  	v0 =	vadd.f32 v2, v0  }
0x17b: {  	v2 =	vld [tilespmem:s23+$0x1050]  }
0x17c: {  	v0 =	vadd.f32 v0, v1;
	_ =	sdelay $0x1  }
0x17d: {  	v0 =	vmul.f32 v0, v0;
	_ =	sdelay $0x1  }
0x17e: {  	[tilespmem:s23+$0x1AF40] =	vst v0;
	v0 =	vld [tilespmem:s23+$0x1A750]  }
0x17f: {  	v1 =	vld.idx.msk [tilespmem:v3+s28+$0x0], $0xffff;
	_ =	sdelay $0x1  }
0x180: {  	v2 =	vld.idx.msk [tilespmem:v2+s28+$0x0], $0xffff;
	_ =	sdelay $0x1  }
0x181: {  	v3 =	vld [tilespmem:s23+$0x860]  }
0x182: {  	v0 =	vadd.f32 v0, v1  }
0x183: {  	v1 =	vld [tilespmem:s23+$0x1060]  }
0x184: {  	v0 =	vadd.f32 v0, v2;
	_ =	sdelay $0x1  }
0x185: {  	v0 =	vmul.f32 v0, v0;
	_ =	sdelay $0x1  }
0x186: {  	[tilespmem:s23+$0x1AF50] =	vst v0;
	v0 =	vld [tilespmem:s23+$0x1A760]  }
0x187: {  	v2 =	vld.idx.msk [tilespmem:v3+s28+$0x0], $0xffff;
	_ =	sdelay $0x1  }
0x188: {  	v1 =	vld.idx.msk [tilespmem:v1+s28+$0x0], $0xffff;
	_ =	sdelay $0x1  }
0x189: {  	v3 =	vld [tilespmem:s23+$0x870]  }
0x18a: {  	v0 =	vadd.f32 v0, v2  }
0x18b: {  	v2 =	vld [tilespmem:s23+$0x1070]  }
0x18c: {  	v0 =	vadd.f32 v0, v1;
	_ =	sdelay $0x1  }
0x18d: {  	v0 =	vmul.f32 v0, v0;
	_ =	sdelay $0x1  }
0x18e: {  	[tilespmem:s23+$0x1AF60] =	vst v0;
	v0 =	vld [tilespmem:s23+$0x1A770]  }
0x18f: {  	v1 =	vld.idx.msk [tilespmem:v3+s28+$0x0], $0xffff;
	_ =	sdelay $0x1  }
0x190: {  	v2 =	vld.idx.msk [tilespmem:v2+s28+$0x0], $0xffff;
	_ =	sdelay $0x2  }
0x191: {  	v0 =	vadd.f32 v0, v1;
	_ =	sdelay $0x1  }
0x192: {  	v0 =	vadd.f32 v0, v2;
	_ =	sdelay $0x1  }
0x193: {  	v0 =	vmul.f32 v0, v0;
	_ =	sdelay $0x1  }
0x194: {  	[tilespmem:s23+$0x1AF70] =	vst v0  }
0x195: {  	[tilespmem:s28], [sflag:$0x3] =	stream.strided.gather [hbm4b:s14+s18], $0x18700, s20, s18, $0x38;
	[tilespmem:$0x1B780] =	vst v63  }
0x196: {  	_ =	swait.ge [sflag:s31], $0x18700  }
0x197: {  	[sflag:s31] =	ssyncset.done $0x0  }
0x198: {  	s3 =	simm.s32 $0x0;
	[sflag:s31] =	ssyncadd.s32 $0xFFFE7900  }
0x199: {  	v0 =	vld [tilespmem:s3+$0x0]  }
0x19a: {  	v1 =	vld [tilespmem:s3+$0x1800];
	_ =	sdelay $0x5  }
0x19b: {  	v2 =	vld [tilespmem:s3+$0x10]  }
0x19c: {  	v0 =	vld.idx.msk [tilespmem:v0+s28+$0x0], $0xffff  }
0x19d: {  	v1 =	vld.idx.msk [tilespmem:v1+s28+$0x0], $0xffff  }
0x19e: {  	v3 =	vld [tilespmem:s3+$0x1810];
	_ =	sdelay $0x3  }
0x19f: {  	v0 =	vsub.f32 v0, v1;
	_ =	sdelay $0x1  }
0x1a0: {  	[tilespmem:s3+$0x1A700] =	vst v0  }
0x1a1: {  	v0 =	vld.idx.msk [tilespmem:v2+s28+$0x0], $0xffff  }
0x1a2: {  	v1 =	vld.idx.msk [tilespmem:v3+s28+$0x0], $0xffff  }
0x1a3: {  	v2 =	vld [tilespmem:s3+$0x20]  }
0x1a4: {  	v3 =	vld [tilespmem:s3+$0x1820];
	_ =	sdelay $0x3  }
0x1a5: {  	v0 =	vsub.f32 v0, v1;
	_ =	sdelay $0x1  }
0x1a6: {  	[tilespmem:s3+$0x1A710] =	vst v0  }
0x1a7: {  	v0 =	vld.idx.msk [tilespmem:v2+s28+$0x0], $0xffff  }
0x1a8: {  	v1 =	vld.idx.msk [tilespmem:v3+s28+$0x0], $0xffff  }
0x1a9: {  	v2 =	vld [tilespmem:s3+$0x30]  }
0x1aa: {  	v3 =	vld [tilespmem:s3+$0x1830];
	_ =	sdelay $0x3  }
0x1ab: {  	v0 =	vsub.f32 v0, v1;
	_ =	sdelay $0x1  }
0x1ac: {  	[tilespmem:s3+$0x1A720] =	vst v0  }
0x1ad: {  	v0 =	vld.idx.msk [tilespmem:v2+s28+$0x0], $0xffff  }
0x1ae: {  	v1 =	vld.idx.msk [tilespmem:v3+s28+$0x0], $0xffff  }
0x1af: {  	v2 =	vld [tilespmem:s3+$0x40]  }
0x1b0: {  	v3 =	vld [tilespmem:s3+$0x1840];
	_ =	sdelay $0x3  }
0x1b1: {  	v0 =	vsub.f32 v0, v1;
	_ =	sdelay $0x1  }
0x1b2: {  	[tilespmem:s3+$0x1A730] =	vst v0  }
0x1b3: {  	v0 =	vld.idx.msk [tilespmem:v2+s28+$0x0], $0xffff  }
0x1b4: {  	v1 =	vld.idx.msk [tilespmem:v3+s28+$0x0], $0xffff  }
0x1b5: {  	v2 =	vld [tilespmem:s3+$0x50]  }
0x1b6: {  	v3 =	vld [tilespmem:s3+$0x1850];
	_ =	sdelay $0x3  }
0x1b7: {  	v0 =	vsub.f32 v0, v1;
	_ =	sdelay $0x1  }
0x1b8: {  	[tilespmem:s3+$0x1A740] =	vst v0  }
0x1b9: {  	v0 =	vld.idx.msk [tilespmem:v2+s28+$0x0], $0xffff  }
0x1ba: {  	v1 =	vld.idx.msk [tilespmem:v3+s28+$0x0], $0xffff  }
0x1bb: {  	v2 =	vld [tilespmem:s3+$0x60]  }
0x1bc: {  	v3 =	vld [tilespmem:s3+$0x1860];
	_ =	sdelay $0x3  }
0x1bd: {  	v0 =	vsub.f32 v0, v1;
	_ =	sdelay $0x1  }
0x1be: {  	[tilespmem:s3+$0x1A750] =	vst v0  }
0x1bf: {  	v0 =	vld.idx.msk [tilespmem:v2+s28+$0x0], $0xffff  }
0x1c0: {  	v1 =	vld.idx.msk [tilespmem:v3+s28+$0x0], $0xffff;
	_ =	sdelay $0x2  }
0x1c1: {  	v2 =	vld [tilespmem:s3+$0x70];
	_ =	sdelay $0x1  }
0x1c2: {  	v1 =	vsub.f32 v0, v1;
	v0 =	vld [tilespmem:s3+$0x1870];
	_ =	sdelay $0x4  }
0x1c3: {  	[tilespmem:s3+$0x1A760] =	vst v1  }
0x1c4: {  	s21 =	simm.s32 $0x200;
	s22 =	simm.s32 $0x400;
	v1 =	vld.idx.msk [tilespmem:v2+s28+$0x0], $0xffff  }
.LBB2_6:
0x1c5: {  	p1 =	sne.s32 s22, $0x1E00  }
0x1c6: {  	s23 =	sshra.s32 s21, $0x2;
	v0 =	vld.idx.msk [tilespmem:v0+s28+$0x0], $0xffff;
	s21 =	smov.u32 s22;
	s22 =	sadd.s32 $0x200, s22  }
0x1c7: {  	v2 =	vld [tilespmem:s23+$0x0]  }
0x1c8: {  	v3 =	vld [tilespmem:s23+$0x1800];
	_ =	sdelay $0x3  }
0x1c9: {  	v0 =	vsub.f32 v1, v0;
	_ =	sdelay $0x1  }
0x1ca: {  	v1 =	vld [tilespmem:s23+$0x1810];
	[tilespmem:s3+$0x1A770] =	vst v0;
	s3 =	smov.u32 s23  }
0x1cb: {  	v0 =	vld.idx.msk [tilespmem:v2+s28+$0x0], $0xffff  }
0x1cc: {  	v2 =	vld.idx.msk [tilespmem:v3+s28+$0x0], $0xffff  }
0x1cd: {  	v3 =	vld [tilespmem:s3+$0x10];
	_ =	sdelay $0x4  }
0x1ce: {  	v0 =	vsub.f32 v0, v2;
	_ =	sdelay $0x1  }
0x1cf: {  	[tilespmem:s3+$0x1A700] =	vst v0;
	v0 =	vld [tilespmem:s3+$0x1820]  }
0x1d0: {  	v2 =	vld.idx.msk [tilespmem:v3+s28+$0x0], $0xffff  }
0x1d1: {  	v1 =	vld.idx.msk [tilespmem:v1+s28+$0x0], $0xffff  }
0x1d2: {  	v3 =	vld [tilespmem:s3+$0x20];
	_ =	sdelay $0x4  }
0x1d3: {  	v1 =	vsub.f32 v2, v1;
	_ =	sdelay $0x1  }
0x1d4: {  	[tilespmem:s3+$0x1A710] =	vst v1;
	v1 =	vld [tilespmem:s3+$0x1830]  }
0x1d5: {  	v2 =	vld.idx.msk [tilespmem:v3+s28+$0x0], $0xffff  }
0x1d6: {  	v0 =	vld.idx.msk [tilespmem:v0+s28+$0x0], $0xffff  }
0x1d7: {  	v3 =	vld [tilespmem:s3+$0x30];
	_ =	sdelay $0x4  }
0x1d8: {  	v0 =	vsub.f32 v2, v0;
	_ =	sdelay $0x1  }
0x1d9: {  	[tilespmem:s3+$0x1A720] =	vst v0;
	v0 =	vld [tilespmem:s3+$0x1840]  }
0x1da: {  	v2 =	vld.idx.msk [tilespmem:v3+s28+$0x0], $0xffff  }
0x1db: {  	v1 =	vld.idx.msk [tilespmem:v1+s28+$0x0], $0xffff  }
0x1dc: {  	v3 =	vld [tilespmem:s3+$0x40];
	_ =	sdelay $0x4  }
0x1dd: {  	v1 =	vsub.f32 v2, v1;
	_ =	sdelay $0x1  }
0x1de: {  	[tilespmem:s3+$0x1A730] =	vst v1;
	v1 =	vld [tilespmem:s3+$0x1850]  }
0x1df: {  	v2 =	vld.idx.msk [tilespmem:v3+s28+$0x0], $0xffff  }
0x1e0: {  	v0 =	vld.idx.msk [tilespmem:v0+s28+$0x0], $0xffff  }
0x1e1: {  	v3 =	vld [tilespmem:s3+$0x50];
	_ =	sdelay $0x4  }
0x1e2: {  	v0 =	vsub.f32 v2, v0;
	_ =	sdelay $0x1  }
0x1e3: {  	[tilespmem:s3+$0x1A740] =	vst v0;
	v2 =	vld [tilespmem:s3+$0x1860]  }
0x1e4: {  	v0 =	vld.idx.msk [tilespmem:v3+s28+$0x0], $0xffff  }
0x1e5: {  	v1 =	vld.idx.msk [tilespmem:v1+s28+$0x0], $0xffff  }
0x1e6: {  	v3 =	vld [tilespmem:s3+$0x60];
	_ =	sdelay $0x4  }
0x1e7: {  	v0 =	vsub.f32 v0, v1;
	_ =	sdelay $0x1  }
0x1e8: {  	[tilespmem:s3+$0x1A750] =	vst v0;
	v0 =	vld [tilespmem:s3+$0x1870]  }
0x1e9: {  	v1 =	vld.idx.msk [tilespmem:v3+s28+$0x0], $0xffff  }
0x1ea: {  	v2 =	vld.idx.msk [tilespmem:v2+s28+$0x0], $0xffff  }
0x1eb: {  	v3 =	vld [tilespmem:s3+$0x70];
	_ =	sdelay $0x3  }
.Ltmp2:
0x1ec: {  	(pc) =	sbr.rel @p1 .LBB2_6-.Ltmp2, $3  }
0x1ed: {  	v1 =	vsub.f32 v1, v2;
	_ =	sdelay $0x1  }
0x1ee: {  	[tilespmem:s3+$0x1A760] =	vst v1  }
0x1ef: {  	v1 =	vld.idx.msk [tilespmem:v3+s28+$0x0], $0xffff  }
0x1f0: {  	_ =	sdelay $0x3  }
0x1f1: {  	s21 =	sshra.s32 s21, $0x2;
	v0 =	vld.idx.msk [tilespmem:v0+s28+$0x0], $0xffff  }
0x1f2: {  	v2 =	vld [tilespmem:s21+$0x0]  }
0x1f3: {  	v3 =	vld [tilespmem:s21+$0x1800];
	_ =	sdelay $0x3  }
0x1f4: {  	v0 =	vsub.f32 v1, v0;
	_ =	sdelay $0x1  }
0x1f5: {  	v1 =	vld [tilespmem:s21+$0x1810];
	[tilespmem:s3+$0x1A770] =	vst v0  }
0x1f6: {  	v0 =	vld.idx.msk [tilespmem:v2+s28+$0x0], $0xffff  }
0x1f7: {  	v2 =	vld.idx.msk [tilespmem:v3+s28+$0x0], $0xffff  }
0x1f8: {  	v3 =	vld [tilespmem:s21+$0x10];
	_ =	sdelay $0x4  }
0x1f9: {  	v0 =	vsub.f32 v0, v2;
	_ =	sdelay $0x1  }
0x1fa: {  	v2 =	vld [tilespmem:s21+$0x20];
	[tilespmem:s21+$0x1A700] =	vst v0  }
0x1fb: {  	v0 =	vld.idx.msk [tilespmem:v3+s28+$0x0], $0xffff  }
0x1fc: {  	v1 =	vld.idx.msk [tilespmem:v1+s28+$0x0], $0xffff  }
0x1fd: {  	v3 =	vld [tilespmem:s21+$0x1820];
	_ =	sdelay $0x3  }
0x1fe: {  	v0 =	vsub.f32 v0, v1;
	_ =	sdelay $0x1  }
0x1ff: {  	[tilespmem:s21+$0x1A710] =	vst v0  }
0x200: {  	v0 =	vld.idx.msk [tilespmem:v2+s28+$0x0], $0xffff  }
0x201: {  	v1 =	vld.idx.msk [tilespmem:v3+s28+$0x0], $0xffff  }
0x202: {  	v2 =	vld [tilespmem:s21+$0x30]  }
0x203: {  	v3 =	vld [tilespmem:s21+$0x1830];
	_ =	sdelay $0x3  }
0x204: {  	v0 =	vsub.f32 v0, v1;
	_ =	sdelay $0x1  }
0x205: {  	[tilespmem:s21+$0x1A720] =	vst v0  }
0x206: {  	v0 =	vld.idx.msk [tilespmem:v2+s28+$0x0], $0xffff  }
0x207: {  	v1 =	vld.idx.msk [tilespmem:v3+s28+$0x0], $0xffff  }
0x208: {  	v2 =	vld [tilespmem:s21+$0x40]  }
0x209: {  	v3 =	vld [tilespmem:s21+$0x1840];
	_ =	sdelay $0x3  }
0x20a: {  	v0 =	vsub.f32 v0, v1;
	_ =	sdelay $0x1  }
0x20b: {  	[tilespmem:s21+$0x1A730] =	vst v0  }
0x20c: {  	v0 =	vld.idx.msk [tilespmem:v2+s28+$0x0], $0xffff  }
0x20d: {  	v1 =	vld.idx.msk [tilespmem:v3+s28+$0x0], $0xffff  }
0x20e: {  	v2 =	vld [tilespmem:s21+$0x50]  }
0x20f: {  	v3 =	vld [tilespmem:s21+$0x1850];
	_ =	sdelay $0x3  }
0x210: {  	v0 =	vsub.f32 v0, v1;
	_ =	sdelay $0x1  }
0x211: {  	[tilespmem:s21+$0x1A740] =	vst v0  }
0x212: {  	v0 =	vld.idx.msk [tilespmem:v2+s28+$0x0], $0xffff  }
0x213: {  	v1 =	vld.idx.msk [tilespmem:v3+s28+$0x0], $0xffff  }
0x214: {  	v2 =	vld [tilespmem:s21+$0x60]  }
0x215: {  	v3 =	vld [tilespmem:s21+$0x1860];
	_ =	sdelay $0x3  }
0x216: {  	v0 =	vsub.f32 v0, v1;
	_ =	sdelay $0x1  }
0x217: {  	[tilespmem:s21+$0x1A750] =	vst v0  }
0x218: {  	v0 =	vld.idx.msk [tilespmem:v2+s28+$0x0], $0xffff  }
0x219: {  	v1 =	vld.idx.msk [tilespmem:v3+s28+$0x0], $0xffff  }
0x21a: {  	v2 =	vld [tilespmem:s21+$0x70]  }
0x21b: {  	v3 =	vld [tilespmem:s21+$0x1870];
	_ =	sdelay $0x3  }
0x21c: {  	v0 =	vsub.f32 v0, v1;
	_ =	sdelay $0x1  }
0x21d: {  	[tilespmem:s21+$0x1A760] =	vst v0  }
0x21e: {  	v0 =	vld.idx.msk [tilespmem:v2+s28+$0x0], $0xffff  }
0x21f: {  	v1 =	vld.idx.msk [tilespmem:v3+s28+$0x0], $0xffff;
	_ =	sdelay $0x4  }
0x220: {  	v0 =	vsub.f32 v0, v1;
	_ =	sdelay $0x1  }
0x221: {  	[tilespmem:s21+$0x1A770] =	vst v0  }
0x222: {  	[tilespmem:s28], [sflag:$0x3] =	stream.strided.gather [hbm4b:s15+s18], $0x18700, s20, s18, $0x38;
	[tilespmem:$0x1B780] =	vst v63  }
0x223: {  	_ =	swait.ge [sflag:s31], $0x18700  }
0x224: {  	[sflag:s31] =	ssyncset.done $0x0  }
0x225: {  	s3 =	simm.s32 $0x0;
	[sflag:s31] =	ssyncadd.s32 $0xFFFE7900  }
0x226: {  	v0 =	vld [tilespmem:s3+$0x800];
	_ =	sdelay $0x1  }
0x227: {  	v1 =	vld [tilespmem:s3+$0x1000];
	_ =	sdelay $0x4  }
0x228: {  	v2 =	vld [tilespmem:s3+$0x1A700]  }
0x229: {  	v0 =	vld.idx.msk [tilespmem:v0+s28+$0x0], $0xffff;
	_ =	sdelay $0x1  }
0x22a: {  	v1 =	vld.idx.msk [tilespmem:v1+s28+$0x0], $0xffff;
	_ =	sdelay $0x2  }
0x22b: {  	v3 =	vld [tilespmem:s3+$0x1AF00];
	v0 =	vadd.f32 v2, v0  }
0x22c: {  	v2 =	vld [tilespmem:s3+$0x810]  }
0x22d: {  	v0 =	vadd.f32 v0, v1;
	_ =	sdelay $0x1  }
0x22e: {  	v1 =	vld [tilespmem:s3+$0x1010];
	v0 =	vmul.f32 v0, v0;
	_ =	sdelay $0x1  }
0x22f: {  	v0 =	vadd.f32 v0, v3;
	_ =	sdelay $0x1  }
0x230: {  	[tilespmem:s3+$0x1AF00] =	vst v0  }
0x231: {  	v0 =	vld.idx.msk [tilespmem:v2+s28+$0x0], $0xffff  }
0x232: {  	v2 =	vld [tilespmem:s3+$0x1A710];
	_ =	sdelay $0x1  }
0x233: {  	v1 =	vld.idx.msk [tilespmem:v1+s28+$0x0], $0xffff;
	_ =	sdelay $0x2  }
0x234: {  	v3 =	vld [tilespmem:s3+$0x1AF10];
	v0 =	vadd.f32 v2, v0  }
0x235: {  	v2 =	vld [tilespmem:s3+$0x820]  }
0x236: {  	v0 =	vadd.f32 v0, v1;
	_ =	sdelay $0x1  }
0x237: {  	v1 =	vld [tilespmem:s3+$0x1020];
	v0 =	vmul.f32 v0, v0;
	_ =	sdelay $0x1  }
0x238: {  	v0 =	vadd.f32 v0, v3;
	_ =	sdelay $0x1  }
0x239: {  	[tilespmem:s3+$0x1AF10] =	vst v0  }
0x23a: {  	v0 =	vld.idx.msk [tilespmem:v2+s28+$0x0], $0xffff  }
0x23b: {  	v2 =	vld [tilespmem:s3+$0x1A720];
	_ =	sdelay $0x1  }
0x23c: {  	v1 =	vld.idx.msk [tilespmem:v1+s28+$0x0], $0xffff;
	_ =	sdelay $0x2  }
0x23d: {  	v3 =	vld [tilespmem:s3+$0x1AF20];
	v0 =	vadd.f32 v2, v0  }
0x23e: {  	v2 =	vld [tilespmem:s3+$0x830]  }
0x23f: {  	v0 =	vadd.f32 v0, v1;
	_ =	sdelay $0x1  }
0x240: {  	v1 =	vld [tilespmem:s3+$0x1030];
	v0 =	vmul.f32 v0, v0;
	_ =	sdelay $0x1  }
0x241: {  	v0 =	vadd.f32 v0, v3;
	_ =	sdelay $0x1  }
0x242: {  	[tilespmem:s3+$0x1AF20] =	vst v0  }
0x243: {  	v0 =	vld.idx.msk [tilespmem:v2+s28+$0x0], $0xffff  }
0x244: {  	v2 =	vld [tilespmem:s3+$0x1A730];
	_ =	sdelay $0x1  }
0x245: {  	v1 =	vld.idx.msk [tilespmem:v1+s28+$0x0], $0xffff;
	_ =	sdelay $0x2  }
0x246: {  	v3 =	vld [tilespmem:s3+$0x1AF30];
	v0 =	vadd.f32 v2, v0  }
0x247: {  	v2 =	vld [tilespmem:s3+$0x840]  }
0x248: {  	v0 =	vadd.f32 v0, v1;
	_ =	sdelay $0x1  }
0x249: {  	v1 =	vld [tilespmem:s3+$0x1040];
	v0 =	vmul.f32 v0, v0;
	_ =	sdelay $0x1  }
0x24a: {  	v0 =	vadd.f32 v0, v3;
	_ =	sdelay $0x1  }
0x24b: {  	[tilespmem:s3+$0x1AF30] =	vst v0  }
0x24c: {  	v0 =	vld.idx.msk [tilespmem:v2+s28+$0x0], $0xffff  }
0x24d: {  	v2 =	vld [tilespmem:s3+$0x1A740];
	_ =	sdelay $0x1  }
0x24e: {  	v1 =	vld.idx.msk [tilespmem:v1+s28+$0x0], $0xffff;
	_ =	sdelay $0x2  }
0x24f: {  	v3 =	vld [tilespmem:s3+$0x850];
	v0 =	vadd.f32 v2, v0  }
0x250: {  	v2 =	vld [tilespmem:s3+$0x1AF40]  }
0x251: {  	v0 =	vadd.f32 v0, v1  }
0x252: {  	v1 =	vld [tilespmem:s3+$0x1050]  }
0x253: {  	v0 =	vmul.f32 v0, v0;
	_ =	sdelay $0x1  }
0x254: {  	v0 =	vadd.f32 v0, v2;
	_ =	sdelay $0x1  }
0x255: {  	[tilespmem:s3+$0x1AF40] =	vst v0;
	v0 =	vld [tilespmem:s3+$0x1A750]  }
0x256: {  	v2 =	vld.idx.msk [tilespmem:v3+s28+$0x0], $0xffff;
	_ =	sdelay $0x1  }
0x257: {  	v1 =	vld.idx.msk [tilespmem:v1+s28+$0x0], $0xffff;
	_ =	sdelay $0x2  }
0x258: {  	v3 =	vld [tilespmem:s3+$0x860];
	v0 =	vadd.f32 v0, v2  }
0x259: {  	v2 =	vld [tilespmem:s3+$0x1AF50]  }
0x25a: {  	v0 =	vadd.f32 v0, v1  }
0x25b: {  	v1 =	vld [tilespmem:s3+$0x1060]  }
0x25c: {  	v0 =	vmul.f32 v0, v0;
	_ =	sdelay $0x1  }
0x25d: {  	v0 =	vadd.f32 v0, v2;
	_ =	sdelay $0x1  }
0x25e: {  	[tilespmem:s3+$0x1AF50] =	vst v0;
	v0 =	vld [tilespmem:s3+$0x1A760]  }
0x25f: {  	v2 =	vld.idx.msk [tilespmem:v3+s28+$0x0], $0xffff;
	_ =	sdelay $0x1  }
0x260: {  	v1 =	vld.idx.msk [tilespmem:v1+s28+$0x0], $0xffff;
	_ =	sdelay $0x2  }
0x261: {  	v3 =	vld [tilespmem:s3+$0x870];
	v0 =	vadd.f32 v0, v2  }
0x262: {  	v2 =	vld [tilespmem:s3+$0x1AF60]  }
0x263: {  	v0 =	vadd.f32 v0, v1  }
0x264: {  	v1 =	vld [tilespmem:s3+$0x1070]  }
0x265: {  	v0 =	vmul.f32 v0, v0;
	_ =	sdelay $0x1  }
0x266: {  	v0 =	vadd.f32 v0, v2;
	_ =	sdelay $0x1  }
0x267: {  	[tilespmem:s3+$0x1AF60] =	vst v0;
	v0 =	vld [tilespmem:s3+$0x1A770]  }
0x268: {  	v2 =	vld.idx.msk [tilespmem:v3+s28+$0x0], $0xffff;
	_ =	sdelay $0x1  }
0x269: {  	v1 =	vld.idx.msk [tilespmem:v1+s28+$0x0], $0xffff;
	_ =	sdelay $0x2  }
0x26a: {  	v0 =	vadd.f32 v0, v2  }
0x26b: {  	s23 =	simm.s32 $0x80;
	v2 =	vld [tilespmem:s3+$0x1AF70]  }
0x26c: {  	v0 =	vadd.f32 v0, v1;
	v1 =	vld [tilespmem:s23+$0x800];
	_ =	sdelay $0x1  }
0x26d: {  	v3 =	vmul.f32 v0, v0;
	v0 =	vld [tilespmem:s23+$0x1000];
	_ =	sdelay $0x2  }
0x26e: {  	s21 =	simm.s32 $0x400;
	v2 =	vadd.f32 v3, v2  }
.LBB2_8:
0x26f: {  	_ = 	snop  }
0x270: {  	p1 =	sne.s32 s21, $0x1E00;
	s22 =	smov.u32 s21;
	s21 =	sadd.s32 $0x200, s21;
	[tilespmem:s3+$0x1AF70] =	vst v2  }
0x271: {  	s3 =	smov.u32 s23;
	v1 =	vld.idx.msk [tilespmem:v1+s28+$0x0], $0xffff  }
0x272: {  	v2 =	vld [tilespmem:s3+$0x1A700]  }
0x273: {  	v0 =	vld.idx.msk [tilespmem:v0+s28+$0x0], $0xffff;
	_ =	sdelay $0x3  }
0x274: {  	v1 =	vadd.f32 v2, v1;
	v2 =	vld [tilespmem:s3+$0x810]  }
0x275: {  	v3 =	vld [tilespmem:s3+$0x1AF00]  }
0x276: {  	v0 =	vadd.f32 v1, v0  }
0x277: {  	v1 =	vld [tilespmem:s3+$0x1010]  }
0x278: {  	v0 =	vmul.f32 v0, v0;
	_ =	sdelay $0x1  }
0x279: {  	v0 =	vadd.f32 v0, v3;
	_ =	sdelay $0x1  }
0x27a: {  	[tilespmem:s3+$0x1AF00] =	vst v0  }
0x27b: {  	v0 =	vld.idx.msk [tilespmem:v2+s28+$0x0], $0xffff  }
0x27c: {  	v2 =	vld [tilespmem:s3+$0x1A710]  }
0x27d: {  	v1 =	vld.idx.msk [tilespmem:v1+s28+$0x0], $0xffff;
	_ =	sdelay $0x3  }
0x27e: {  	v0 =	vadd.f32 v2, v0;
	v2 =	vld [tilespmem:s3+$0x820]  }
0x27f: {  	v3 =	vld [tilespmem:s3+$0x1AF10]  }
0x280: {  	v0 =	vadd.f32 v0, v1  }
0x281: {  	v1 =	vld [tilespmem:s3+$0x1020]  }
0x282: {  	v0 =	vmul.f32 v0, v0;
	_ =	sdelay $0x1  }
0x283: {  	v0 =	vadd.f32 v0, v3;
	_ =	sdelay $0x1  }
0x284: {  	[tilespmem:s3+$0x1AF10] =	vst v0  }
0x285: {  	v0 =	vld.idx.msk [tilespmem:v2+s28+$0x0], $0xffff  }
0x286: {  	v2 =	vld [tilespmem:s3+$0x1A720]  }
0x287: {  	v1 =	vld.idx.msk [tilespmem:v1+s28+$0x0], $0xffff;
	_ =	sdelay $0x3  }
0x288: {  	v0 =	vadd.f32 v2, v0;
	v2 =	vld [tilespmem:s3+$0x830]  }
0x289: {  	v3 =	vld [tilespmem:s3+$0x1AF20]  }
0x28a: {  	v0 =	vadd.f32 v0, v1  }
0x28b: {  	v1 =	vld [tilespmem:s3+$0x1030]  }
0x28c: {  	v0 =	vmul.f32 v0, v0;
	_ =	sdelay $0x1  }
0x28d: {  	v0 =	vadd.f32 v0, v3;
	_ =	sdelay $0x1  }
0x28e: {  	[tilespmem:s3+$0x1AF20] =	vst v0  }
0x28f: {  	v0 =	vld.idx.msk [tilespmem:v2+s28+$0x0], $0xffff  }
0x290: {  	v2 =	vld [tilespmem:s3+$0x1A730]  }
0x291: {  	v1 =	vld.idx.msk [tilespmem:v1+s28+$0x0], $0xffff;
	_ =	sdelay $0x3  }
0x292: {  	v0 =	vadd.f32 v2, v0;
	v2 =	vld [tilespmem:s3+$0x840]  }
0x293: {  	v3 =	vld [tilespmem:s3+$0x1AF30]  }
0x294: {  	v0 =	vadd.f32 v0, v1  }
0x295: {  	v1 =	vld [tilespmem:s3+$0x1040]  }
0x296: {  	v0 =	vmul.f32 v0, v0;
	_ =	sdelay $0x1  }
0x297: {  	v0 =	vadd.f32 v0, v3;
	_ =	sdelay $0x1  }
0x298: {  	[tilespmem:s3+$0x1AF30] =	vst v0  }
0x299: {  	v0 =	vld.idx.msk [tilespmem:v2+s28+$0x0], $0xffff  }
0x29a: {  	v2 =	vld [tilespmem:s3+$0x1A740]  }
0x29b: {  	v1 =	vld.idx.msk [tilespmem:v1+s28+$0x0], $0xffff;
	_ =	sdelay $0x3  }
0x29c: {  	v0 =	vadd.f32 v2, v0;
	v2 =	vld [tilespmem:s3+$0x850]  }
0x29d: {  	v3 =	vld [tilespmem:s3+$0x1AF40]  }
0x29e: {  	v0 =	vadd.f32 v0, v1;
	v1 =	vld [tilespmem:s3+$0x1050];
	_ =	sdelay $0x1  }
0x29f: {  	v0 =	vmul.f32 v0, v0;
	_ =	sdelay $0x1  }
0x2a0: {  	v0 =	vadd.f32 v0, v3;
	_ =	sdelay $0x1  }
0x2a1: {  	[tilespmem:s3+$0x1AF40] =	vst v0;
	v0 =	vld [tilespmem:s3+$0x1A750]  }
0x2a2: {  	v2 =	vld.idx.msk [tilespmem:v2+s28+$0x0], $0xffff  }
0x2a3: {  	v1 =	vld.idx.msk [tilespmem:v1+s28+$0x0], $0xffff;
	_ =	sdelay $0x4  }
0x2a4: {  	v0 =	vadd.f32 v0, v2;
	v2 =	vld [tilespmem:s3+$0x860]  }
0x2a5: {  	v3 =	vld [tilespmem:s3+$0x1AF50]  }
0x2a6: {  	v0 =	vadd.f32 v0, v1;
	v1 =	vld [tilespmem:s3+$0x1060];
	_ =	sdelay $0x1  }
0x2a7: {  	v0 =	vmul.f32 v0, v0;
	_ =	sdelay $0x1  }
0x2a8: {  	v0 =	vadd.f32 v0, v3;
	_ =	sdelay $0x1  }
0x2a9: {  	[tilespmem:s3+$0x1AF50] =	vst v0;
	v0 =	vld [tilespmem:s3+$0x1A760]  }
0x2aa: {  	v2 =	vld.idx.msk [tilespmem:v2+s28+$0x0], $0xffff  }
0x2ab: {  	v1 =	vld.idx.msk [tilespmem:v1+s28+$0x0], $0xffff;
	_ =	sdelay $0x4  }
0x2ac: {  	v0 =	vadd.f32 v0, v2;
	v2 =	vld [tilespmem:s3+$0x870]  }
0x2ad: {  	v3 =	vld [tilespmem:s3+$0x1AF60]  }
0x2ae: {  	v0 =	vadd.f32 v0, v1;
	v1 =	vld [tilespmem:s3+$0x1070];
	_ =	sdelay $0x1  }
0x2af: {  	v0 =	vmul.f32 v0, v0;
	_ =	sdelay $0x1  }
0x2b0: {  	v0 =	vadd.f32 v0, v3;
	_ =	sdelay $0x1  }
0x2b1: {  	[tilespmem:s3+$0x1AF60] =	vst v0;
	v0 =	vld [tilespmem:s3+$0x1A770]  }
0x2b2: {  	v2 =	vld.idx.msk [tilespmem:v2+s28+$0x0], $0xffff  }
0x2b3: {  	v3 =	vld.idx.msk [tilespmem:v1+s28+$0x0], $0xffff;
	_ =	sdelay $0x4  }
0x2b4: {  	s23 =	sshra.s32 s22, $0x2;
	v2 =	vadd.f32 v0, v2;
	v4 =	vld [tilespmem:s3+$0x1AF70]  }
0x2b5: {  	v1 =	vld [tilespmem:s23+$0x800]  }
.Ltmp3:
0x2b6: {  	v2 =	vadd.f32 v2, v3;
	v0 =	vld [tilespmem:s23+$0x1000];
	(pc) =	sbr.rel @p1 .LBB2_8-.Ltmp3, $3  }
0x2b7: {  	_ = 	snop  }
0x2b8: {  	v2 =	vmul.f32 v2, v2;
	_ =	sdelay $0x1  }
0x2b9: {  	v2 =	vadd.f32 v2, v4  }
0x2ba: {  	_ =	sdelay $0x2  }
0x2bb: {  	[tilespmem:s3+$0x1AF70] =	vst v2  }
0x2bc: {  	v1 =	vld.idx.msk [tilespmem:v1+s28+$0x0], $0xffff  }
0x2bd: {  	v2 =	vld [tilespmem:s23+$0x1A700];
	_ =	sdelay $0x1  }
0x2be: {  	v0 =	vld.idx.msk [tilespmem:v0+s28+$0x0], $0xffff;
	_ =	sdelay $0x2  }
0x2bf: {  	v33 =	vld [tilespmem:s23+$0x810];
	v1 =	vadd.f32 v2, v1  }
0x2c0: {  	v3 =	vld [tilespmem:s23+$0x1AF00]  }
0x2c1: {  	v0 =	vadd.f32 v1, v0  }
0x2c2: {  	v34 =	vld [tilespmem:s23+$0x1010]  }
0x2c3: {  	v0 =	vmul.f32 v0, v0;
	_ =	sdelay $0x1  }
0x2c4: {  	v0 =	vadd.f32 v0, v3;
	_ =	sdelay $0x1  }
0x2c5: {  	v35 =	vld [tilespmem:s23+$0x1A710];
	[tilespmem:s23+$0x1AF00] =	vst v0  }
0x2c6: {  	v0 =	vld.idx.msk [tilespmem:v33+s28+$0x0], $0xffff;
	_ =	sdelay $0x1  }
0x2c7: {  	v1 =	vld.idx.msk [tilespmem:v34+s28+$0x0], $0xffff;
	_ =	sdelay $0x2  }
0x2c8: {  	v36 =	vld [tilespmem:s23+$0x820];
	v0 =	vadd.f32 v35, v0  }
0x2c9: {  	v37 =	vld [tilespmem:s23+$0x1AF10]  }
0x2ca: {  	v0 =	vadd.f32 v0, v1  }
0x2cb: {  	v38 =	vld [tilespmem:s23+$0x1020]  }
0x2cc: {  	v0 =	vmul.f32 v0, v0;
	_ =	sdelay $0x1  }
0x2cd: {  	v0 =	vadd.f32 v0, v37;
	_ =	sdelay $0x1  }
0x2ce: {  	v39 =	vld [tilespmem:s23+$0x1A720];
	[tilespmem:s23+$0x1AF10] =	vst v0  }
0x2cf: {  	v0 =	vld.idx.msk [tilespmem:v36+s28+$0x0], $0xffff;
	_ =	sdelay $0x1  }
0x2d0: {  	v1 =	vld.idx.msk [tilespmem:v38+s28+$0x0], $0xffff;
	_ =	sdelay $0x2  }
0x2d1: {  	v40 =	vld [tilespmem:s23+$0x830];
	v0 =	vadd.f32 v39, v0  }
0x2d2: {  	v41 =	vld [tilespmem:s23+$0x1AF20]  }
0x2d3: {  	v0 =	vadd.f32 v0, v1  }
0x2d4: {  	v42 =	vld [tilespmem:s23+$0x1030]  }
0x2d5: {  	v0 =	vmul.f32 v0, v0;
	_ =	sdelay $0x1  }
0x2d6: {  	v0 =	vadd.f32 v0, v41;
	_ =	sdelay $0x1  }
0x2d7: {  	v43 =	vld [tilespmem:s23+$0x1A730];
	[tilespmem:s23+$0x1AF20] =	vst v0  }
0x2d8: {  	v0 =	vld.idx.msk [tilespmem:v40+s28+$0x0], $0xffff;
	_ =	sdelay $0x1  }
0x2d9: {  	v1 =	vld.idx.msk [tilespmem:v42+s28+$0x0], $0xffff;
	_ =	sdelay $0x2  }
0x2da: {  	v44 =	vld [tilespmem:s23+$0x840];
	v0 =	vadd.f32 v43, v0  }
0x2db: {  	v45 =	vld [tilespmem:s23+$0x1AF30]  }
0x2dc: {  	v0 =	vadd.f32 v0, v1  }
0x2dd: {  	v46 =	vld [tilespmem:s23+$0x1040]  }
0x2de: {  	v0 =	vmul.f32 v0, v0;
	_ =	sdelay $0x1  }
0x2df: {  	v0 =	vadd.f32 v0, v45;
	_ =	sdelay $0x1  }
0x2e0: {  	v47 =	vld [tilespmem:s23+$0x1A740];
	[tilespmem:s23+$0x1AF30] =	vst v0  }
0x2e1: {  	v0 =	vld.idx.msk [tilespmem:v44+s28+$0x0], $0xffff;
	_ =	sdelay $0x1  }
0x2e2: {  	v1 =	vld.idx.msk [tilespmem:v46+s28+$0x0], $0xffff;
	_ =	sdelay $0x2  }
0x2e3: {  	v48 =	vld [tilespmem:s23+$0x1AF40];
	v0 =	vadd.f32 v47, v0  }
0x2e4: {  	v49 =	vld [tilespmem:s23+$0x850]  }
0x2e5: {  	v0 =	vadd.f32 v0, v1  }
0x2e6: {  	v50 =	vld [tilespmem:s23+$0x1050]  }
0x2e7: {  	v0 =	vmul.f32 v0, v0;
	_ =	sdelay $0x1  }
0x2e8: {  	v0 =	vadd.f32 v0, v48;
	_ =	sdelay $0x1  }
0x2e9: {  	v51 =	vld [tilespmem:s23+$0x1A750];
	[tilespmem:s23+$0x1AF40] =	vst v0  }
0x2ea: {  	v52 =	vld.idx.msk [tilespmem:v49+s28+$0x0], $0xffff;
	_ =	sdelay $0x1  }
0x2eb: {  	v1 =	vld.idx.msk [tilespmem:v50+s28+$0x0], $0xffff;
	_ =	sdelay $0x2  }
0x2ec: {  	v53 =	vld [tilespmem:s23+$0x1AF50];
	v0 =	vadd.f32 v51, v52  }
0x2ed: {  	v54 =	vld [tilespmem:s23+$0x860]  }
0x2ee: {  	v0 =	vadd.f32 v0, v1  }
0x2ef: {  	v55 =	vld [tilespmem:s23+$0x1060]  }
0x2f0: {  	v0 =	vmul.f32 v0, v0;
	_ =	sdelay $0x1  }
0x2f1: {  	v0 =	vadd.f32 v0, v53;
	_ =	sdelay $0x1  }
0x2f2: {  	v56 =	vld [tilespmem:s23+$0x1A760];
	[tilespmem:s23+$0x1AF50] =	vst v0  }
0x2f3: {  	v57 =	vld.idx.msk [tilespmem:v54+s28+$0x0], $0xffff;
	_ =	sdelay $0x1  }
0x2f4: {  	v1 =	vld.idx.msk [tilespmem:v55+s28+$0x0], $0xffff;
	_ =	sdelay $0x2  }
0x2f5: {  	v58 =	vld [tilespmem:s23+$0x1AF60];
	v0 =	vadd.f32 v56, v57  }
0x2f6: {  	v59 =	vld [tilespmem:s23+$0x870]  }
0x2f7: {  	v0 =	vadd.f32 v0, v1  }
0x2f8: {  	v60 =	vld [tilespmem:s23+$0x1070]  }
0x2f9: {  	v0 =	vmul.f32 v0, v0;
	_ =	sdelay $0x1  }
0x2fa: {  	v0 =	vadd.f32 v0, v58;
	_ =	sdelay $0x1  }
0x2fb: {  	v61 =	vld [tilespmem:s23+$0x1A770];
	[tilespmem:s23+$0x1AF60] =	vst v0  }
0x2fc: {  	v62 =	vld.idx.msk [tilespmem:v59+s28+$0x0], $0xffff;
	_ =	sdelay $0x1  }
0x2fd: {  	v1 =	vld.idx.msk [tilespmem:v60+s28+$0x0], $0xffff;
	_ =	sdelay $0x2  }
0x2fe: {  	v0 =	vadd.f32 v61, v62  }
0x2ff: {  	v63 =	vld [tilespmem:s23+$0x1AF70]  }
0x300: {  	v0 =	vadd.f32 v0, v1;
	_ =	sdelay $0x1  }
0x301: {  	v0 =	vmul.f32 v0, v0;
	_ =	sdelay $0x1  }
0x302: {  	v0 =	vadd.f32 v0, v63;
	_ =	sdelay $0x1  }
0x303: {  	s3 =	simm.s32 @p0 $0x1AF00;
	[tilespmem:s23+$0x1AF70] =	vst v0  }
0x304: {  	[spmem:s4] =	stream.linear.scatter @p0 [tilespmem:s3], [sflag:$0x3], $0x800, $0x38;
	[tilespmem:$0x1B780] =	vst v63  }
0x305: {  	s3 =	simm.s32 @p0 $0x3  }
0x306: {  	_ =	swait.ge @p0 [sflag:s3], $0x800  }
0x307: {  	[sflag:s3] =	ssyncset.done @p0 $0x0  }
0x308: {  	[sflag:s3] =	ssyncadd.s32 @p0 $0xFFFFF800  }
0x309: {  	[bflag:$0x0] =	sbarrier.arrive @p0 $0xFFFF  }
0x30a: {  	s21 =	sshrl.u32 @p0 s4, $0x3;
	s22 =	simm.s32 @p0 $0x1C03;
	[bflag:$0x0] =	sbarrier.arrive @p0 $0xFFFF  }
0x30b: {  	v0 =	vlaneseq.u32 @!p0;
	[hbm:s16], [sflag:s22] =	dma.local @p0 [spmem:s21], $0x100  }
0x30c: {  	_ =	swait.ge @p0 [sflag:s3], $0x100  }
0x30d: {  	[sflag:s3] =	ssyncset.done @p0 $0x0  }
0x30e: {  	[sflag:s3] =	ssyncadd.s32 @p0 $0xFFFFFF00  }
0x30f: {  	s0 =	sadd.s32 $0x1, s0;
	s3 =	simm.s32 @!p0 $0x1AF00;
	[bflag:$0x0] =	sbarrier.arrive @!p0 $0xFFFF  }
0x310: {  	[spmem:s4] =	stream.indirect_vreg.scatter.add.f32 @!p0 [tilespmem:s3], [sflag:$0x3], $0x80, v0, vm0, $0xb8;
	[tilespmem:$0x1B780] =	vst v63  }
0x311: {  	p1 =	sne.s32 s0, s17;
	s3 =	simm.s32 @!p0 $0x3  }
.Ltmp4:
0x312: {  	_ =	swait.ge @!p0 [sflag:s3], $0x800;
	(pc) =	sbr.rel @p1 .LBB2_1-.Ltmp4, $3  }
0x313: {  	[sflag:s3] =	ssyncset.done @!p0 $0x0  }
0x314: {  	[sflag:s3] =	ssyncadd.s32 @!p0 $0xFFFFF800  }
0x315: {  	[bflag:$0x0] =	sbarrier.arrive @!p0 $0xFFFF;
	_ =	sdelay $0x1  }
0x316: {  	_ =	sfence.sel $0x180000  }
0x317: {  	[bflag:$0x0] =	sbarrier.arrive $0xFFFF  }
0x318: {  	_ =	strace $0x90000047  }
0x319: {  	s0 =	stileid.u32;
	[bflag:$0x2] =	sbarrier.arrive $0xFFFF  }
0x31a: {  	p0 =	sne.s32 s0, $0x0;
	s0 =	rddreg [dreg:$0x6]  }
0x31b: {  	s0 =	sadd.s32 @!p0 $0x100000, s0  }
0x31c: {  	[sflag:s0] =	ssyncadd.tile.s32 @!p0 $0x1;
	_ =	shalt  }
.Lfunc_end2:
_tile_overlayer_lowered:
.L_overlay_start_2:
0x31d: {  	(tag) =	ssettag $0x2  }
0x31e: {  	s0 =	rddreg [dreg:$0x0];
	s2 =	stileid.u32  }
0x31f: {  	s1 =	rddreg [dreg:$0x1];
	p0 =	sne.s32 s2, $0x0  }
0x320: {  	s3 =	rddreg [dreg:$0x2];
	[bflag:$0x3] =	sbarrier.arrive $0xFFFF;
	s2 =	simm.s32 @!p0 $0x1C03  }
0x321: {  	[timem:s3], [sflag:s2] =	dma.local @!p0 [hbm:s0], s1  }
0x322: {  	s0 =	simm.s32 @!p0 $0x3  }
0x323: {  	_ =	swait.ge @!p0 [sflag:s0], s1  }
0x324: {  	s1 =	ssub.s32 @!p0 $0x0, s1;
	[sflag:s0] =	ssyncset.done @!p0 $0x0  }
0x325: {  	[sflag:s0] =	ssyncadd.s32 @!p0 s1  }
0x326: {  	[bflag:$0x3] =	sbarrier.arrive $0xFFFF  }
0x327: {  	_ =	shalt  }

</sc_bundles>
